<compile_context>
chip_gen: v7x
topology: tpu7x:2x2x1
jax: 0.10.2.dev20260603
libtpu: 0.0.44.dev20260713+nightly
codegen_flags: <defaults>
</compile_context>

<pallas_src>
import functools

import jax
import jax.numpy as jnp
from jax import lax
from jax.experimental import pallas as pl
from jax.experimental.pallas import tpu as pltpu
from jax.experimental.pallas import tpu_sc as plsc

_VOCAB = 100000
_DIM = 64
_B = 1024
_L = 20
_VT = 1024
_NV = (_VOCAB + _VT - 1) // _VT
_VPAD = _NV * _VT
_REM = _VOCAB - (_NV - 1) * _VT


def _sc_embed_mean(table, idx_flat):
    nw = 32
    per_w = _B // nw
    mesh = plsc.VectorSubcoreMesh(core_axis_name="c", subcore_axis_name="s")

    @functools.partial(
        pl.kernel,
        out_type=jax.ShapeDtypeStruct((_B, _DIM), jnp.float32),
        mesh=mesh,
        scratch_types=[
            pltpu.VMEM((per_w * _L,), jnp.int32),
            pltpu.VMEM((per_w * _L, _DIM), jnp.float32),
            pltpu.VMEM((per_w, _DIM), jnp.float32),
            pltpu.SemaphoreType.DMA,
        ],
        compiler_params=pltpu.CompilerParams(use_tc_tiling_on_sc=False),
    )
    def k(table_hbm, idx_hbm, out_hbm, idx_v, rows_v, acc_v, sem):
        wid = lax.axis_index("s") * 2 + lax.axis_index("c")
        base = wid * per_w
        pltpu.sync_copy(idx_hbm.at[pl.ds(base * _L, per_w * _L)], idx_v)
        pltpu.async_copy(table_hbm.at[idx_v], rows_v, sem).wait()

        @pl.loop(0, per_w)
        def _(b):
            r0 = b * _L
            for d in range(_DIM // 16):
                sl = pl.ds(d * 16, 16)
                acc = rows_v[r0, sl]
                for l in range(1, _L):
                    acc = acc + rows_v[r0 + l, sl]
                acc_v[b, sl] = acc * (1.0 / _L)

        pltpu.sync_copy(acc_v, out_hbm.at[pl.ds(base, per_w)])

    return k(table, idx_flat)


def _tc_body(emb_ref, w_ref, b_ref, out_ref, bt_scr, ebf_scr, m_scr, s_scr,
             c_scr):
    p = pl.program_id(0)
    v = pl.program_id(1)

    @pl.when((p == 0) & (v == 0))
    def _():
        ebf_scr[...] = emb_ref[...].astype(jnp.bfloat16)
        m_scr[...] = jnp.full((_B, 128), -1e30, jnp.float32)
        s_scr[...] = jnp.zeros((_B, 128), jnp.float32)
        for t in range(_NV - 1):
            bt_scr[t] = b_ref[:, t * _VT:(t + 1) * _VT]
        bt_scr[_NV - 1] = jnp.concatenate(
            [b_ref[:, (_NV - 1) * _VT:],
             jnp.full((1, _VPAD - _VOCAB), -1e30, jnp.float32)], axis=1)

    def logits_tile():
        wc = w_ref[...].astype(jnp.bfloat16)
        row = lax.broadcasted_iota(jnp.int32, (_VT, _DIM), 0)
        wc = jnp.where((v < _NV - 1) | (row < _REM), wc,
                       jnp.zeros_like(wc))
        acc = lax.dot_general(
            ebf_scr[...], wc, (((1,), (1,)), ((), ())),
            preferred_element_type=jnp.float32,
        )
        return acc + bt_scr[v]

    @pl.when(p == 0)
    def _():
        lg = logits_tile()
        m_old = m_scr[:, 0:1]
        s_old = s_scr[:, 0:1]
        mx = jnp.max(lg, axis=1, keepdims=True)
        m_new = jnp.maximum(m_old, mx)
        s_new = s_old * jnp.exp(m_old - m_new) + jnp.sum(
            jnp.exp(lg - m_new), axis=1, keepdims=True)
        m_scr[...] = jnp.broadcast_to(m_new, (_B, 128))
        s_scr[...] = jnp.broadcast_to(s_new, (_B, 128))

        @pl.when(v == _NV - 1)
        def _():
            c_scr[...] = jnp.broadcast_to(m_new + jnp.log(s_new), (_B, 128))

    @pl.when(p == 1)
    def _():
        out_ref[...] = logits_tile() - c_scr[:, 0:1]


def _tc_linear_logsoftmax(embeds, w, bias2d):
    return pl.pallas_call(
        _tc_body,
        grid=(2, _NV),
        in_specs=[
            pl.BlockSpec((_B, _DIM), lambda p, v: (0, 0)),
            pl.BlockSpec((_VT, _DIM), lambda p, v: (v, 0)),
            pl.BlockSpec((1, _VOCAB), lambda p, v: (0, 0)),
        ],
        out_specs=pl.BlockSpec(
            (_B, _VT), lambda p, v: (0, jnp.where(p == 0, 0, v))),
        out_shape=jax.ShapeDtypeStruct((_B, _VOCAB), jnp.float32),
        scratch_shapes=[
            pltpu.VMEM((_NV, 1, _VT), jnp.float32),
            pltpu.VMEM((_B, _DIM), jnp.bfloat16),
            pltpu.VMEM((_B, 128), jnp.float32),
            pltpu.VMEM((_B, 128), jnp.float32),
            pltpu.VMEM((_B, 128), jnp.float32),
        ],
    )(embeds, w, bias2d)


def kernel(input_idx, embedding_weight, linear1_weight, linear1_bias):
    idx_flat = input_idx.reshape(-1).astype(jnp.int32)
    embeds = _sc_embed_mean(embedding_weight, idx_flat)
    return _tc_linear_logsoftmax(
        embeds, linear1_weight, linear1_bias.reshape(1, _VOCAB))

# --- scband reference (transcript-rebuilt; emitter-appended) ---
"""Pipeline reference for scband-cbowmodel-43688407335402 (READ-ONLY COPY).

The authoritative reference and input builder live on the scoring server;
editing this copy changes nothing except your own understanding.
"""

import jax, jax.numpy as jnp
import numpy as np

VOCAB = 100000
DIM = 64
B = 1024
L = 20


def setup_inputs(seed: int = 0) -> dict:
    key = jax.random.key(seed)
    k1, k2, k3, k4 = jax.random.split(key, 4)
    input_idx = jax.random.randint(k1, (B, L), 0, VOCAB)
    embedding_weight = jax.random.normal(k2, (VOCAB, DIM), dtype=jnp.float32) * 0.02
    # torch nn.Linear weight has shape [out_features, in_features]
    linear1_weight = jax.random.normal(k3, (VOCAB, DIM), dtype=jnp.float32) * 0.02
    linear1_bias = jax.random.normal(k4, (VOCAB,), dtype=jnp.float32) * 0.02
    return {
        "input_idx": input_idx,
        "embedding_weight": embedding_weight,
        "linear1_weight": linear1_weight,
        "linear1_bias": linear1_bias,
    }


def reference(input_idx, embedding_weight, linear1_weight, linear1_bias):
    # embeds = self.embedding(input_idx).mean(1)
    embeds = jnp.take(embedding_weight, input_idx, axis=0).mean(axis=1)
    # x = self.linear1(embeds)
    x = embeds @ linear1_weight.T + linear1_bias
    # x = self.log_softmax(x)  (dim=1)
    return jax.nn.log_softmax(x, axis=1)

if __name__ == "__main__":
    import jax
    _d = setup_inputs()
    print(jax.jit(kernel)(*tuple(_d.values())))

</pallas_src>

<mosaic_0001>
#map = affine_map<(d0, d1) -> (0, 0)>
#map1 = affine_map<(d0, d1) -> (0)>
module attributes {stable_mosaic.version = 14 : i64} {
  func.func @k(%arg0: i32, %arg1: i32, %arg2: memref<100000x64xf32, #tpu.memory_space<hbm>>, %arg3: memref<20480xi32, #tpu.memory_space<hbm>>, %arg4: memref<1024x64xf32, #tpu.memory_space<hbm>>, %arg5: memref<640xi32, #tpu.memory_space<vmem>>, %arg6: memref<640x64xf32, #tpu.memory_space<vmem>>, %arg7: memref<32x64xf32, #tpu.memory_space<vmem>>, %arg8: memref<!tpu.dma_semaphore, #tpu.memory_space<semaphore_mem>>) attributes {dimension_semantics = [#tpu.dimension_semantics<core_parallel>, #tpu.dimension_semantics<subcore_parallel>], iteration_bounds = array<i64: 2, 16>, scalar_prefetch = 0 : i64, scratch_operands = 4 : i64, tpu.core_type = #tpu.core_type<sc_vector_subcore>, window_params = [{transform_indices = #map}, {transform_indices = #map1}, {transform_indices = #map}]} {
    %mul3A = arith.constant 2 : i32
    %mul3A_0 = arith.muli %arg1, %mul3A : i32
    %add3A = arith.addi %mul3A_0, %arg0 : i32
    %mul3A_1 = arith.constant 32 : i32
    %mul3A_2 = arith.muli %add3A, %mul3A_1 : i32
    %mul3A_3 = arith.constant 20 : i32
    %mul3A_4 = arith.muli %mul3A_2, %mul3A_3 : i32
    "tpu.region"() ({
      %run_scoped3A = tpu.sem_alloc : memref<!tpu.dma_semaphore, #tpu.memory_space<semaphore_mem>>
      %dma_start3A_13 = tpu.memref_slice %arg3[%mul3A_4] : memref<20480xi32, #tpu.memory_space<hbm>> -> memref<640xi32, #tpu.memory_space<hbm>>
      %dma_start3A_14 = tpu.memref_slice %arg3[%mul3A_4] : memref<20480xi32, #tpu.memory_space<hbm>> -> memref<640xi32, #tpu.memory_space<hbm>>
      tpu.enqueue_dma source(%dma_start3A_14 : memref<640xi32, #tpu.memory_space<hbm>>) target(%arg5 : memref<640xi32, #tpu.memory_space<vmem>>) target_semaphore(%run_scoped3A : memref<!tpu.dma_semaphore, #tpu.memory_space<semaphore_mem>>)
      %dma_wait3A_15 = tpu.memref_slice %arg3[%mul3A_4] : memref<20480xi32, #tpu.memory_space<hbm>> -> memref<640xi32, #tpu.memory_space<hbm>>
      %dma_wait3A_16 = tpu.memref_slice %arg3[%mul3A_4] : memref<20480xi32, #tpu.memory_space<hbm>> -> memref<640xi32, #tpu.memory_space<hbm>>
      tpu.wait_dma2 semaphore(%run_scoped3A : memref<!tpu.dma_semaphore, #tpu.memory_space<semaphore_mem>>) src(%dma_wait3A_16 : memref<640xi32, #tpu.memory_space<hbm>>) dst(%arg5 : memref<640xi32, #tpu.memory_space<vmem>>)
      tpu.yield
    }) : () -> ()
    %dma_start3A = arith.constant 0 : i32
    %dma_start3A_5 = arith.constant 0 : i32
    %dma_start3A_6 = tpu.memref_slice %arg2[%dma_start3A, %dma_start3A_5] : memref<100000x64xf32, #tpu.memory_space<hbm>> -> memref<100000x64xf32, #tpu.memory_space<hbm>>
    tpu.enqueue_indirect_dma source(%dma_start3A_6 : memref<100000x64xf32, #tpu.memory_space<hbm>>) target(%arg6 : memref<640x64xf32, #tpu.memory_space<vmem>>) offsets(%arg5 : memref<640xi32, #tpu.memory_space<vmem>>) semaphore(%arg8 : memref<!tpu.dma_semaphore, #tpu.memory_space<semaphore_mem>>)
    %dma_wait3A = arith.constant 0 : i32
    %dma_wait3A_7 = arith.constant 0 : i32
    %dma_wait3A_8 = tpu.memref_slice %arg2[%dma_wait3A, %dma_wait3A_7] : memref<100000x64xf32, #tpu.memory_space<hbm>> -> memref<100000x64xf32, #tpu.memory_space<hbm>>
    tpu.wait_indirect_dma semaphore(%arg8 : memref<!tpu.dma_semaphore, #tpu.memory_space<semaphore_mem>>) src(%dma_wait3A_8 : memref<100000x64xf32, #tpu.memory_space<hbm>>) dst(%arg6 : memref<640x64xf32, #tpu.memory_space<vmem>>)
    %scan3A = arith.constant 0 : i32
    %scan3A_9 = arith.constant 32 : i32
    %scan3A_10 = arith.addi %scan3A, %scan3A_9 : i32
    %scan3A_11 = arith.constant 1 : i32
    scf.for %scan3A_13 = %scan3A to %scan3A_10 step %scan3A_11  : i32 {
      %mul3A_14 = arith.constant 1 : i32
      %mul3A_15 = arith.muli %scan3A_13, %mul3A_14 : i32
      %add3A_16 = arith.constant 0 : i32
      %add3A_17 = arith.addi %add3A_16, %mul3A_15 : i32
      %mul3A_18 = arith.constant 20 : i32
      %mul3A_19 = arith.muli %add3A_17, %mul3A_18 : i32
      %get3A = arith.index_cast %mul3A_19 : i32 to index
      %get3A_20 = arith.constant 0 : index
      %get3A_21 = tpu.vector_load %arg6[%get3A, %get3A_20] {strides = array<i32>} : memref<640x64xf32, #tpu.memory_space<vmem>>, vector<1x16xf32>,
      %get3A_22 = vector.shape_cast %get3A_21 : vector<1x16xf32> to vector<16xf32>
      %add3A_23 = arith.constant 1 : i32
      %add3A_24 = arith.addi %mul3A_19, %add3A_23 : i32
      %get3A_25 = arith.index_cast %add3A_24 : i32 to index
      %get3A_26 = arith.constant 0 : index
      %get3A_27 = tpu.vector_load %arg6[%get3A_25, %get3A_26] {strides = array<i32>} : memref<640x64xf32, #tpu.memory_space<vmem>>, vector<1x16xf32>,
      %get3A_28 = vector.shape_cast %get3A_27 : vector<1x16xf32> to vector<16xf32>
      %add3A_29 = arith.addf %get3A_22, %get3A_28 : vector<16xf32>
      %add3A_30 = arith.constant 2 : i32
      %add3A_31 = arith.addi %mul3A_19, %add3A_30 : i32
      %get3A_32 = arith.index_cast %add3A_31 : i32 to index
      %get3A_33 = arith.constant 0 : index
      %get3A_34 = tpu.vector_load %arg6[%get3A_32, %get3A_33] {strides = array<i32>} : memref<640x64xf32, #tpu.memory_space<vmem>>, vector<1x16xf32>,
      %get3A_35 = vector.shape_cast %get3A_34 : vector<1x16xf32> to vector<16xf32>
      %add3A_36 = arith.addf %add3A_29, %get3A_35 : vector<16xf32>
      %add3A_37 = arith.constant 3 : i32
      %add3A_38 = arith.addi %mul3A_19, %add3A_37 : i32
      %get3A_39 = arith.index_cast %add3A_38 : i32 to index
      %get3A_40 = arith.constant 0 : index
      %get3A_41 = tpu.vector_load %arg6[%get3A_39, %get3A_40] {strides = array<i32>} : memref<640x64xf32, #tpu.memory_space<vmem>>, vector<1x16xf32>,
      %get3A_42 = vector.shape_cast %get3A_41 : vector<1x16xf32> to vector<16xf32>
      %add3A_43 = arith.addf %add3A_36, %get3A_42 : vector<16xf32>
      %add3A_44 = arith.constant 4 : i32
      %add3A_45 = arith.addi %mul3A_19, %add3A_44 : i32
      %get3A_46 = arith.index_cast %add3A_45 : i32 to index
      %get3A_47 = arith.constant 0 : index
      %get3A_48 = tpu.vector_load %arg6[%get3A_46, %get3A_47] {strides = array<i32>} : memref<640x64xf32, #tpu.memory_space<vmem>>, vector<1x16xf32>,
      %get3A_49 = vector.shape_cast %get3A_48 : vector<1x16xf32> to vector<16xf32>
      %add3A_50 = arith.addf %add3A_43, %get3A_49 : vector<16xf32>
      %add3A_51 = arith.constant 5 : i32
      %add3A_52 = arith.addi %mul3A_19, %add3A_51 : i32
      %get3A_53 = arith.index_cast %add3A_52 : i32 to index
      %get3A_54 = arith.constant 0 : index
      %get3A_55 = tpu.vector_load %arg6[%get3A_53, %get3A_54] {strides = array<i32>} : memref<640x64xf32, #tpu.memory_space<vmem>>, vector<1x16xf32>,
      %get3A_56 = vector.shape_cast %get3A_55 : vector<1x16xf32> to vector<16xf32>
      %add3A_57 = arith.addf %add3A_50, %get3A_56 : vector<16xf32>
      %add3A_58 = arith.constant 6 : i32
      %add3A_59 = arith.addi %mul3A_19, %add3A_58 : i32
      %get3A_60 = arith.index_cast %add3A_59 : i32 to index
      %get3A_61 = arith.constant 0 : index
      %get3A_62 = tpu.vector_load %arg6[%get3A_60, %get3A_61] {strides = array<i32>} : memref<640x64xf32, #tpu.memory_space<vmem>>, vector<1x16xf32>,
      %get3A_63 = vector.shape_cast %get3A_62 : vector<1x16xf32> to vector<16xf32>
      %add3A_64 = arith.addf %add3A_57, %get3A_63 : vector<16xf32>
      %add3A_65 = arith.constant 7 : i32
      %add3A_66 = arith.addi %mul3A_19, %add3A_65 : i32
      %get3A_67 = arith.index_cast %add3A_66 : i32 to index
      %get3A_68 = arith.constant 0 : index
      %get3A_69 = tpu.vector_load %arg6[%get3A_67, %get3A_68] {strides = array<i32>} : memref<640x64xf32, #tpu.memory_space<vmem>>, vector<1x16xf32>,
      %get3A_70 = vector.shape_cast %get3A_69 : vector<1x16xf32> to vector<16xf32>
      %add3A_71 = arith.addf %add3A_64, %get3A_70 : vector<16xf32>
      %add3A_72 = arith.constant 8 : i32
      %add3A_73 = arith.addi %mul3A_19, %add3A_72 : i32
      %get3A_74 = arith.index_cast %add3A_73 : i32 to index
      %get3A_75 = arith.constant 0 : index
      %get3A_76 = tpu.vector_load %arg6[%get3A_74, %get3A_75] {strides = array<i32>} : memref<640x64xf32, #tpu.memory_space<vmem>>, vector<1x16xf32>,
      %get3A_77 = vector.shape_cast %get3A_76 : vector<1x16xf32> to vector<16xf32>
      %add3A_78 = arith.addf %add3A_71, %get3A_77 : vector<16xf32>
      %add3A_79 = arith.constant 9 : i32
      %add3A_80 = arith.addi %mul3A_19, %add3A_79 : i32
      %get3A_81 = arith.index_cast %add3A_80 : i32 to index
      %get3A_82 = arith.constant 0 : index
      %get3A_83 = tpu.vector_load %arg6[%get3A_81, %get3A_82] {strides = array<i32>} : memref<640x64xf32, #tpu.memory_space<vmem>>, vector<1x16xf32>,
      %get3A_84 = vector.shape_cast %get3A_83 : vector<1x16xf32> to vector<16xf32>
      %add3A_85 = arith.addf %add3A_78, %get3A_84 : vector<16xf32>
      %add3A_86 = arith.constant 10 : i32
      %add3A_87 = arith.addi %mul3A_19, %add3A_86 : i32
      %get3A_88 = arith.index_cast %add3A_87 : i32 to index
      %get3A_89 = arith.constant 0 : index
      %get3A_90 = tpu.vector_load %arg6[%get3A_88, %get3A_89] {strides = array<i32>} : memref<640x64xf32, #tpu.memory_space<vmem>>, vector<1x16xf32>,
      %get3A_91 = vector.shape_cast %get3A_90 : vector<1x16xf32> to vector<16xf32>
      %add3A_92 = arith.addf %add3A_85, %get3A_91 : vector<16xf32>
      %add3A_93 = arith.constant 11 : i32
      %add3A_94 = arith.addi %mul3A_19, %add3A_93 : i32
      %get3A_95 = arith.index_cast %add3A_94 : i32 to index
      %get3A_96 = arith.constant 0 : index
      %get3A_97 = tpu.vector_load %arg6[%get3A_95, %get3A_96] {strides = array<i32>} : memref<640x64xf32, #tpu.memory_space<vmem>>, vector<1x16xf32>,
      %get3A_98 = vector.shape_cast %get3A_97 : vector<1x16xf32> to vector<16xf32>
      %add3A_99 = arith.addf %add3A_92, %get3A_98 : vector<16xf32>
      %add3A_100 = arith.constant 12 : i32
      %add3A_101 = arith.addi %mul3A_19, %add3A_100 : i32
      %get3A_102 = arith.index_cast %add3A_101 : i32 to index
      %get3A_103 = arith.constant 0 : index
      %get3A_104 = tpu.vector_load %arg6[%get3A_102, %get3A_103] {strides = array<i32>} : memref<640x64xf32, #tpu.memory_space<vmem>>, vector<1x16xf32>,
      %get3A_105 = vector.shape_cast %get3A_104 : vector<1x16xf32> to vector<16xf32>
      %add3A_106 = arith.addf %add3A_99, %get3A_105 : vector<16xf32>
      %add3A_107 = arith.constant 13 : i32
      %add3A_108 = arith.addi %mul3A_19, %add3A_107 : i32
      %get3A_109 = arith.index_cast %add3A_108 : i32 to index
      %get3A_110 = arith.constant 0 : index
      %get3A_111 = tpu.vector_load %arg6[%get3A_109, %get3A_110] {strides = array<i32>} : memref<640x64xf32, #tpu.memory_space<vmem>>, vector<1x16xf32>,
      %get3A_112 = vector.shape_cast %get3A_111 : vector<1x16xf32> to vector<16xf32>
      %add3A_113 = arith.addf %add3A_106, %get3A_112 : vector<16xf32>
      %add3A_114 = arith.constant 14 : i32
      %add3A_115 = arith.addi %mul3A_19, %add3A_114 : i32
      %get3A_116 = arith.index_cast %add3A_115 : i32 to index
      %get3A_117 = arith.constant 0 : index
      %get3A_118 = tpu.vector_load %arg6[%get3A_116, %get3A_117] {strides = array<i32>} : memref<640x64xf32, #tpu.memory_space<vmem>>, vector<1x16xf32>,
      %get3A_119 = vector.shape_cast %get3A_118 : vector<1x16xf32> to vector<16xf32>
      %add3A_120 = arith.addf %add3A_113, %get3A_119 : vector<16xf32>
      %add3A_121 = arith.constant 15 : i32
      %add3A_122 = arith.addi %mul3A_19, %add3A_121 : i32
      %get3A_123 = arith.index_cast %add3A_122 : i32 to index
      %get3A_124 = arith.constant 0 : index
      %get3A_125 = tpu.vector_load %arg6[%get3A_123, %get3A_124] {strides = array<i32>} : memref<640x64xf32, #tpu.memory_space<vmem>>, vector<1x16xf32>,
      %get3A_126 = vector.shape_cast %get3A_125 : vector<1x16xf32> to vector<16xf32>
      %add3A_127 = arith.addf %add3A_120, %get3A_126 : vector<16xf32>
      %add3A_128 = arith.constant 16 : i32
      %add3A_129 = arith.addi %mul3A_19, %add3A_128 : i32
      %get3A_130 = arith.index_cast %add3A_129 : i32 to index
      %get3A_131 = arith.constant 0 : index
      %get3A_132 = tpu.vector_load %arg6[%get3A_130, %get3A_131] {strides = array<i32>} : memref<640x64xf32, #tpu.memory_space<vmem>>, vector<1x16xf32>,
      %get3A_133 = vector.shape_cast %get3A_132 : vector<1x16xf32> to vector<16xf32>
      %add3A_134 = arith.addf %add3A_127, %get3A_133 : vector<16xf32>
      %add3A_135 = arith.constant 17 : i32
      %add3A_136 = arith.addi %mul3A_19, %add3A_135 : i32
      %get3A_137 = arith.index_cast %add3A_136 : i32 to index
      %get3A_138 = arith.constant 0 : index
      %get3A_139 = tpu.vector_load %arg6[%get3A_137, %get3A_138] {strides = array<i32>} : memref<640x64xf32, #tpu.memory_space<vmem>>, vector<1x16xf32>,
      %get3A_140 = vector.shape_cast %get3A_139 : vector<1x16xf32> to vector<16xf32>
      %add3A_141 = arith.addf %add3A_134, %get3A_140 : vector<16xf32>
      %add3A_142 = arith.constant 18 : i32
      %add3A_143 = arith.addi %mul3A_19, %add3A_142 : i32
      %get3A_144 = arith.index_cast %add3A_143 : i32 to index
      %get3A_145 = arith.constant 0 : index
      %get3A_146 = tpu.vector_load %arg6[%get3A_144, %get3A_145] {strides = array<i32>} : memref<640x64xf32, #tpu.memory_space<vmem>>, vector<1x16xf32>,
      %get3A_147 = vector.shape_cast %get3A_146 : vector<1x16xf32> to vector<16xf32>
      %add3A_148 = arith.addf %add3A_141, %get3A_147 : vector<16xf32>
      %add3A_149 = arith.constant 19 : i32
      %add3A_150 = arith.addi %mul3A_19, %add3A_149 : i32
      %get3A_151 = arith.index_cast %add3A_150 : i32 to index
      %get3A_152 = arith.constant 0 : index
      %get3A_153 = tpu.vector_load %arg6[%get3A_151, %get3A_152] {strides = array<i32>} : memref<640x64xf32, #tpu.memory_space<vmem>>, vector<1x16xf32>,
      %get3A_154 = vector.shape_cast %get3A_153 : vector<1x16xf32> to vector<16xf32>
      %add3A_155 = arith.addf %add3A_148, %get3A_154 : vector<16xf32>
      %mul3A_156 = arith.constant 5.000000e-02 : f32
      %mul3A_157 = vector.broadcast %mul3A_156 : f32 to vector<16xf32>
      %mul3A_158 = arith.mulf %add3A_155, %mul3A_157 : vector<16xf32>
      %swap3A = arith.index_cast %add3A_17 : i32 to index
      %swap3A_159 = arith.constant 0 : index
      %swap3A_160 = tpu.vector_load %arg7[%swap3A, %swap3A_159] {strides = array<i32>} : memref<32x64xf32, #tpu.memory_space<vmem>>, vector<1x16xf32>,
      %swap3A_161 = vector.shape_cast %swap3A_160 : vector<1x16xf32> to vector<16xf32>
      %swap3A_162 = vector.shape_cast %mul3A_158 : vector<16xf32> to vector<1x16xf32>
      tpu.vector_store %arg7[%swap3A, %swap3A_159], %swap3A_162 {strides = array<i32>} : memref<32x64xf32, #tpu.memory_space<vmem>>, vector<1x16xf32>,
      %get3A_163 = arith.index_cast %mul3A_19 : i32 to index
      %get3A_164 = arith.constant 16 : index
      %get3A_165 = tpu.vector_load %arg6[%get3A_163, %get3A_164] {strides = array<i32>} : memref<640x64xf32, #tpu.memory_space<vmem>>, vector<1x16xf32>,
      %get3A_166 = vector.shape_cast %get3A_165 : vector<1x16xf32> to vector<16xf32>
      %add3A_167 = arith.constant 1 : i32
      %add3A_168 = arith.addi %mul3A_19, %add3A_167 : i32
      %get3A_169 = arith.index_cast %add3A_168 : i32 to index
      %get3A_170 = arith.constant 16 : index
      %get3A_171 = tpu.vector_load %arg6[%get3A_169, %get3A_170] {strides = array<i32>} : memref<640x64xf32, #tpu.memory_space<vmem>>, vector<1x16xf32>,
      %get3A_172 = vector.shape_cast %get3A_171 : vector<1x16xf32> to vector<16xf32>
      %add3A_173 = arith.addf %get3A_166, %get3A_172 : vector<16xf32>
      %add3A_174 = arith.constant 2 : i32
      %add3A_175 = arith.addi %mul3A_19, %add3A_174 : i32
      %get3A_176 = arith.index_cast %add3A_175 : i32 to index
      %get3A_177 = arith.constant 16 : index
      %get3A_178 = tpu.vector_load %arg6[%get3A_176, %get3A_177] {strides = array<i32>} : memref<640x64xf32, #tpu.memory_space<vmem>>, vector<1x16xf32>,
      %get3A_179 = vector.shape_cast %get3A_178 : vector<1x16xf32> to vector<16xf32>
      %add3A_180 = arith.addf %add3A_173, %get3A_179 : vector<16xf32>
      %add3A_181 = arith.constant 3 : i32
      %add3A_182 = arith.addi %mul3A_19, %add3A_181 : i32
      %get3A_183 = arith.index_cast %add3A_182 : i32 to index
      %get3A_184 = arith.constant 16 : index
      %get3A_185 = tpu.vector_load %arg6[%get3A_183, %get3A_184] {strides = array<i32>} : memref<640x64xf32, #tpu.memory_space<vmem>>, vector<1x16xf32>,
      %get3A_186 = vector.shape_cast %get3A_185 : vector<1x16xf32> to vector<16xf32>
      %add3A_187 = arith.addf %add3A_180, %get3A_186 : vector<16xf32>
      %add3A_188 = arith.constant 4 : i32
      %add3A_189 = arith.addi %mul3A_19, %add3A_188 : i32
      %get3A_190 = arith.index_cast %add3A_189 : i32 to index
      %get3A_191 = arith.constant 16 : index
      %get3A_192 = tpu.vector_load %arg6[%get3A_190, %get3A_191] {strides = array<i32>} : memref<640x64xf32, #tpu.memory_space<vmem>>, vector<1x16xf32>,
      %get3A_193 = vector.shape_cast %get3A_192 : vector<1x16xf32> to vector<16xf32>
      %add3A_194 = arith.addf %add3A_187, %get3A_193 : vector<16xf32>
      %add3A_195 = arith.constant 5 : i32
      %add3A_196 = arith.addi %mul3A_19, %add3A_195 : i32
      %get3A_197 = arith.index_cast %add3A_196 : i32 to index
      %get3A_198 = arith.constant 16 : index
      %get3A_199 = tpu.vector_load %arg6[%get3A_197, %get3A_198] {strides = array<i32>} : memref<640x64xf32, #tpu.memory_space<vmem>>, vector<1x16xf32>,
      %get3A_200 = vector.shape_cast %get3A_199 : vector<1x16xf32> to vector<16xf32>
      %add3A_201 = arith.addf %add3A_194, %get3A_200 : vector<16xf32>
      %add3A_202 = arith.constant 6 : i32
      %add3A_203 = arith.addi %mul3A_19, %add3A_202 : i32
      %get3A_204 = arith.index_cast %add3A_203 : i32 to index
      %get3A_205 = arith.constant 16 : index
      %get3A_206 = tpu.vector_load %arg6[%get3A_204, %get3A_205] {strides = array<i32>} : memref<640x64xf32, #tpu.memory_space<vmem>>, vector<1x16xf32>,
      %get3A_207 = vector.shape_cast %get3A_206 : vector<1x16xf32> to vector<16xf32>
      %add3A_208 = arith.addf %add3A_201, %get3A_207 : vector<16xf32>
      %add3A_209 = arith.constant 7 : i32
      %add3A_210 = arith.addi %mul3A_19, %add3A_209 : i32
      %get3A_211 = arith.index_cast %add3A_210 : i32 to index
      %get3A_212 = arith.constant 16 : index
      %get3A_213 = tpu.vector_load %arg6[%get3A_211, %get3A_212] {strides = array<i32>} : memref<640x64xf32, #tpu.memory_space<vmem>>, vector<1x16xf32>,
      %get3A_214 = vector.shape_cast %get3A_213 : vector<1x16xf32> to vector<16xf32>
      %add3A_215 = arith.addf %add3A_208, %get3A_214 : vector<16xf32>
      %add3A_216 = arith.constant 8 : i32
      %add3A_217 = arith.addi %mul3A_19, %add3A_216 : i32
      %get3A_218 = arith.index_cast %add3A_217 : i32 to index
      %get3A_219 = arith.constant 16 : index
      %get3A_220 = tpu.vector_load %arg6[%get3A_218, %get3A_219] {strides = array<i32>} : memref<640x64xf32, #tpu.memory_space<vmem>>, vector<1x16xf32>,
      %get3A_221 = vector.shape_cast %get3A_220 : vector<1x16xf32> to vector<16xf32>
      %add3A_222 = arith.addf %add3A_215, %get3A_221 : vector<16xf32>
      %add3A_223 = arith.constant 9 : i32
      %add3A_224 = arith.addi %mul3A_19, %add3A_223 : i32
      %get3A_225 = arith.index_cast %add3A_224 : i32 to index
      %get3A_226 = arith.constant 16 : index
      %get3A_227 = tpu.vector_load %arg6[%get3A_225, %get3A_226] {strides = array<i32>} : memref<640x64xf32, #tpu.memory_space<vmem>>, vector<1x16xf32>,
      %get3A_228 = vector.shape_cast %get3A_227 : vector<1x16xf32> to vector<16xf32>
      %add3A_229 = arith.addf %add3A_222, %get3A_228 : vector<16xf32>
      %add3A_230 = arith.constant 10 : i32
      %add3A_231 = arith.addi %mul3A_19, %add3A_230 : i32
      %get3A_232 = arith.index_cast %add3A_231 : i32 to index
      %get3A_233 = arith.constant 16 : index
      %get3A_234 = tpu.vector_load %arg6[%get3A_232, %get3A_233] {strides = array<i32>} : memref<640x64xf32, #tpu.memory_space<vmem>>, vector<1x16xf32>,
      %get3A_235 = vector.shape_cast %get3A_234 : vector<1x16xf32> to vector<16xf32>
      %add3A_236 = arith.addf %add3A_229, %get3A_235 : vector<16xf32>
      %add3A_237 = arith.constant 11 : i32
      %add3A_238 = arith.addi %mul3A_19, %add3A_237 : i32
      %get3A_239 = arith.index_cast %add3A_238 : i32 to index
      %get3A_240 = arith.constant 16 : index
      %get3A_241 = tpu.vector_load %arg6[%get3A_239, %get3A_240] {strides = array<i32>} : memref<640x64xf32, #tpu.memory_space<vmem>>, vector<1x16xf32>,
      %get3A_242 = vector.shape_cast %get3A_241 : vector<1x16xf32> to vector<16xf32>
      %add3A_243 = arith.addf %add3A_236, %get3A_242 : vector<16xf32>
      %add3A_244 = arith.constant 12 : i32
      %add3A_245 = arith.addi %mul3A_19, %add3A_244 : i32
      %get3A_246 = arith.index_cast %add3A_245 : i32 to index
      %get3A_247 = arith.constant 16 : index
      %get3A_248 = tpu.vector_load %arg6[%get3A_246, %get3A_247] {strides = array<i32>} : memref<640x64xf32, #tpu.memory_space<vmem>>, vector<1x16xf32>,
      %get3A_249 = vector.shape_cast %get3A_248 : vector<1x16xf32> to vector<16xf32>
      %add3A_250 = arith.addf %add3A_243, %get3A_249 : vector<16xf32>
      %add3A_251 = arith.constant 13 : i32
      %add3A_252 = arith.addi %mul3A_19, %add3A_251 : i32
      %get3A_253 = arith.index_cast %add3A_252 : i32 to index
      %get3A_254 = arith.constant 16 : index
      %get3A_255 = tpu.vector_load %arg6[%get3A_253, %get3A_254] {strides = array<i32>} : memref<640x64xf32, #tpu.memory_space<vmem>>, vector<1x16xf32>,
      %get3A_256 = vector.shape_cast %get3A_255 : vector<1x16xf32> to vector<16xf32>
      %add3A_257 = arith.addf %add3A_250, %get3A_256 : vector<16xf32>
      %add3A_258 = arith.constant 14 : i32
      %add3A_259 = arith.addi %mul3A_19, %add3A_258 : i32
      %get3A_260 = arith.index_cast %add3A_259 : i32 to index
      %get3A_261 = arith.constant 16 : index
      %get3A_262 = tpu.vector_load %arg6[%get3A_260, %get3A_261] {strides = array<i32>} : memref<640x64xf32, #tpu.memory_space<vmem>>, vector<1x16xf32>,
      %get3A_263 = vector.shape_cast %get3A_262 : vector<1x16xf32> to vector<16xf32>
      %add3A_264 = arith.addf %add3A_257, %get3A_263 : vector<16xf32>
      %add3A_265 = arith.constant 15 : i32
      %add3A_266 = arith.addi %mul3A_19, %add3A_265 : i32
      %get3A_267 = arith.index_cast %add3A_266 : i32 to index
      %get3A_268 = arith.constant 16 : index
      %get3A_269 = tpu.vector_load %arg6[%get3A_267, %get3A_268] {strides = array<i32>} : memref<640x64xf32, #tpu.memory_space<vmem>>, vector<1x16xf32>,
      %get3A_270 = vector.shape_cast %get3A_269 : vector<1x16xf32> to vector<16xf32>
      %add3A_271 = arith.addf %add3A_264, %get3A_270 : vector<16xf32>
      %add3A_272 = arith.constant 16 : i32
      %add3A_273 = arith.addi %mul3A_19, %add3A_272 : i32
      %get3A_274 = arith.index_cast %add3A_273 : i32 to index
      %get3A_275 = arith.constant 16 : index
      %get3A_276 = tpu.vector_load %arg6[%get3A_274, %get3A_275] {strides = array<i32>} : memref<640x64xf32, #tpu.memory_space<vmem>>, vector<1x16xf32>,
      %get3A_277 = vector.shape_cast %get3A_276 : vector<1x16xf32> to vector<16xf32>
      %add3A_278 = arith.addf %add3A_271, %get3A_277 : vector<16xf32>
      %add3A_279 = arith.constant 17 : i32
      %add3A_280 = arith.addi %mul3A_19, %add3A_279 : i32
      %get3A_281 = arith.index_cast %add3A_280 : i32 to index
      %get3A_282 = arith.constant 16 : index
      %get3A_283 = tpu.vector_load %arg6[%get3A_281, %get3A_282] {strides = array<i32>} : memref<640x64xf32, #tpu.memory_space<vmem>>, vector<1x16xf32>,
      %get3A_284 = vector.shape_cast %get3A_283 : vector<1x16xf32> to vector<16xf32>
      %add3A_285 = arith.addf %add3A_278, %get3A_284 : vector<16xf32>
      %add3A_286 = arith.constant 18 : i32
      %add3A_287 = arith.addi %mul3A_19, %add3A_286 : i32
      %get3A_288 = arith.index_cast %add3A_287 : i32 to index
      %get3A_289 = arith.constant 16 : index
      %get3A_290 = tpu.vector_load %arg6[%get3A_288, %get3A_289] {strides = array<i32>} : memref<640x64xf32, #tpu.memory_space<vmem>>, vector<1x16xf32>,
      %get3A_291 = vector.shape_cast %get3A_290 : vector<1x16xf32> to vector<16xf32>
      %add3A_292 = arith.addf %add3A_285, %get3A_291 : vector<16xf32>
      %add3A_293 = arith.constant 19 : i32
      %add3A_294 = arith.addi %mul3A_19, %add3A_293 : i32
      %get3A_295 = arith.index_cast %add3A_294 : i32 to index
      %get3A_296 = arith.constant 16 : index
      %get3A_297 = tpu.vector_load %arg6[%get3A_295, %get3A_296] {strides = array<i32>} : memref<640x64xf32, #tpu.memory_space<vmem>>, vector<1x16xf32>,
      %get3A_298 = vector.shape_cast %get3A_297 : vector<1x16xf32> to vector<16xf32>
      %add3A_299 = arith.addf %add3A_292, %get3A_298 : vector<16xf32>
      %mul3A_300 = arith.constant 5.000000e-02 : f32
      %mul3A_301 = vector.broadcast %mul3A_300 : f32 to vector<16xf32>
      %mul3A_302 = arith.mulf %add3A_299, %mul3A_301 : vector<16xf32>
      %swap3A_303 = arith.index_cast %add3A_17 : i32 to index
      %swap3A_304 = arith.constant 16 : index
      %swap3A_305 = tpu.vector_load %arg7[%swap3A_303, %swap3A_304] {strides = array<i32>} : memref<32x64xf32, #tpu.memory_space<vmem>>, vector<1x16xf32>,
      %swap3A_306 = vector.shape_cast %swap3A_305 : vector<1x16xf32> to vector<16xf32>
      %swap3A_307 = vector.shape_cast %mul3A_302 : vector<16xf32> to vector<1x16xf32>
      tpu.vector_store %arg7[%swap3A_303, %swap3A_304], %swap3A_307 {strides = array<i32>} : memref<32x64xf32, #tpu.memory_space<vmem>>, vector<1x16xf32>,
      %get3A_308 = arith.index_cast %mul3A_19 : i32 to index
      %get3A_309 = arith.constant 32 : index
      %get3A_310 = tpu.vector_load %arg6[%get3A_308, %get3A_309] {strides = array<i32>} : memref<640x64xf32, #tpu.memory_space<vmem>>, vector<1x16xf32>,
      %get3A_311 = vector.shape_cast %get3A_310 : vector<1x16xf32> to vector<16xf32>
      %add3A_312 = arith.constant 1 : i32
      %add3A_313 = arith.addi %mul3A_19, %add3A_312 : i32
      %get3A_314 = arith.index_cast %add3A_313 : i32 to index
      %get3A_315 = arith.constant 32 : index
      %get3A_316 = tpu.vector_load %arg6[%get3A_314, %get3A_315] {strides = array<i32>} : memref<640x64xf32, #tpu.memory_space<vmem>>, vector<1x16xf32>,
      %get3A_317 = vector.shape_cast %get3A_316 : vector<1x16xf32> to vector<16xf32>
      %add3A_318 = arith.addf %get3A_311, %get3A_317 : vector<16xf32>
      %add3A_319 = arith.constant 2 : i32
      %add3A_320 = arith.addi %mul3A_19, %add3A_319 : i32
      %get3A_321 = arith.index_cast %add3A_320 : i32 to index
      %get3A_322 = arith.constant 32 : index
      %get3A_323 = tpu.vector_load %arg6[%get3A_321, %get3A_322] {strides = array<i32>} : memref<640x64xf32, #tpu.memory_space<vmem>>, vector<1x16xf32>,
      %get3A_324 = vector.shape_cast %get3A_323 : vector<1x16xf32> to vector<16xf32>
      %add3A_325 = arith.addf %add3A_318, %get3A_324 : vector<16xf32>
      %add3A_326 = arith.constant 3 : i32
      %add3A_327 = arith.addi %mul3A_19, %add3A_326 : i32
      %get3A_328 = arith.index_cast %add3A_327 : i32 to index
      %get3A_329 = arith.constant 32 : index
      %get3A_330 = tpu.vector_load %arg6[%get3A_328, %get3A_329] {strides = array<i32>} : memref<640x64xf32, #tpu.memory_space<vmem>>, vector<1x16xf32>,
      %get3A_331 = vector.shape_cast %get3A_330 : vector<1x16xf32> to vector<16xf32>
      %add3A_332 = arith.addf %add3A_325, %get3A_331 : vector<16xf32>
      %add3A_333 = arith.constant 4 : i32
      %add3A_334 = arith.addi %mul3A_19, %add3A_333 : i32
      %get3A_335 = arith.index_cast %add3A_334 : i32 to index
      %get3A_336 = arith.constant 32 : index
      %get3A_337 = tpu.vector_load %arg6[%get3A_335, %get3A_336] {strides = array<i32>} : memref<640x64xf32, #tpu.memory_space<vmem>>, vector<1x16xf32>,
      %get3A_338 = vector.shape_cast %get3A_337 : vector<1x16xf32> to vector<16xf32>
      %add3A_339 = arith.addf %add3A_332, %get3A_338 : vector<16xf32>
      %add3A_340 = arith.constant 5 : i32
      %add3A_341 = arith.addi %mul3A_19, %add3A_340 : i32
      %get3A_342 = arith.index_cast %add3A_341 : i32 to index
      %get3A_343 = arith.constant 32 : index
      %get3A_344 = tpu.vector_load %arg6[%get3A_342, %get3A_343] {strides = array<i32>} : memref<640x64xf32, #tpu.memory_space<vmem>>, vector<1x16xf32>,
      %get3A_345 = vector.shape_cast %get3A_344 : vector<1x16xf32> to vector<16xf32>
      %add3A_346 = arith.addf %add3A_339, %get3A_345 : vector<16xf32>
      %add3A_347 = arith.constant 6 : i32
      %add3A_348 = arith.addi %mul3A_19, %add3A_347 : i32
      %get3A_349 = arith.index_cast %add3A_348 : i32 to index
      %get3A_350 = arith.constant 32 : index
      %get3A_351 = tpu.vector_load %arg6[%get3A_349, %get3A_350] {strides = array<i32>} : memref<640x64xf32, #tpu.memory_space<vmem>>, vector<1x16xf32>,
      %get3A_352 = vector.shape_cast %get3A_351 : vector<1x16xf32> to vector<16xf32>
      %add3A_353 = arith.addf %add3A_346, %get3A_352 : vector<16xf32>
      %add3A_354 = arith.constant 7 : i32
      %add3A_355 = arith.addi %mul3A_19, %add3A_354 : i32
      %get3A_356 = arith.index_cast %add3A_355 : i32 to index
      %get3A_357 = arith.constant 32 : index
      %get3A_358 = tpu.vector_load %arg6[%get3A_356, %get3A_357] {strides = array<i32>} : memref<640x64xf32, #tpu.memory_space<vmem>>, vector<1x16xf32>,
      %get3A_359 = vector.shape_cast %get3A_358 : vector<1x16xf32> to vector<16xf32>
      %add3A_360 = arith.addf %add3A_353, %get3A_359 : vector<16xf32>
      %add3A_361 = arith.constant 8 : i32
      %add3A_362 = arith.addi %mul3A_19, %add3A_361 : i32
      %get3A_363 = arith.index_cast %add3A_362 : i32 to index
      %get3A_364 = arith.constant 32 : index
      %get3A_365 = tpu.vector_load %arg6[%get3A_363, %get3A_364] {strides = array<i32>} : memref<640x64xf32, #tpu.memory_space<vmem>>, vector<1x16xf32>,
      %get3A_366 = vector.shape_cast %get3A_365 : vector<1x16xf32> to vector<16xf32>
      %add3A_367 = arith.addf %add3A_360, %get3A_366 : vector<16xf32>
      %add3A_368 = arith.constant 9 : i32
      %add3A_369 = arith.addi %mul3A_19, %add3A_368 : i32
      %get3A_370 = arith.index_cast %add3A_369 : i32 to index
      %get3A_371 = arith.constant 32 : index
      %get3A_372 = tpu.vector_load %arg6[%get3A_370, %get3A_371] {strides = array<i32>} : memref<640x64xf32, #tpu.memory_space<vmem>>, vector<1x16xf32>,
      %get3A_373 = vector.shape_cast %get3A_372 : vector<1x16xf32> to vector<16xf32>
      %add3A_374 = arith.addf %add3A_367, %get3A_373 : vector<16xf32>
      %add3A_375 = arith.constant 10 : i32
      %add3A_376 = arith.addi %mul3A_19, %add3A_375 : i32
      %get3A_377 = arith.index_cast %add3A_376 : i32 to index
      %get3A_378 = arith.constant 32 : index
      %get3A_379 = tpu.vector_load %arg6[%get3A_377, %get3A_378] {strides = array<i32>} : memref<640x64xf32, #tpu.memory_space<vmem>>, vector<1x16xf32>,
      %get3A_380 = vector.shape_cast %get3A_379 : vector<1x16xf32> to vector<16xf32>
      %add3A_381 = arith.addf %add3A_374, %get3A_380 : vector<16xf32>
      %add3A_382 = arith.constant 11 : i32
      %add3A_383 = arith.addi %mul3A_19, %add3A_382 : i32
      %get3A_384 = arith.index_cast %add3A_383 : i32 to index
      %get3A_385 = arith.constant 32 : index
      %get3A_386 = tpu.vector_load %arg6[%get3A_384, %get3A_385] {strides = array<i32>} : memref<640x64xf32, #tpu.memory_space<vmem>>, vector<1x16xf32>,
      %get3A_387 = vector.shape_cast %get3A_386 : vector<1x16xf32> to vector<16xf32>
      %add3A_388 = arith.addf %add3A_381, %get3A_387 : vector<16xf32>
      %add3A_389 = arith.constant 12 : i32
      %add3A_390 = arith.addi %mul3A_19, %add3A_389 : i32
      %get3A_391 = arith.index_cast %add3A_390 : i32 to index
      %get3A_392 = arith.constant 32 : index
      %get3A_393 = tpu.vector_load %arg6[%get3A_391, %get3A_392] {strides = array<i32>} : memref<640x64xf32, #tpu.memory_space<vmem>>, vector<1x16xf32>,
      %get3A_394 = vector.shape_cast %get3A_393 : vector<1x16xf32> to vector<16xf32>
      %add3A_395 = arith.addf %add3A_388, %get3A_394 : vector<16xf32>
      %add3A_396 = arith.constant 13 : i32
      %add3A_397 = arith.addi %mul3A_19, %add3A_396 : i32
      %get3A_398 = arith.index_cast %add3A_397 : i32 to index
      %get3A_399 = arith.constant 32 : index
      %get3A_400 = tpu.vector_load %arg6[%get3A_398, %get3A_399] {strides = array<i32>} : memref<640x64xf32, #tpu.memory_space<vmem>>, vector<1x16xf32>,
      %get3A_401 = vector.shape_cast %get3A_400 : vector<1x16xf32> to vector<16xf32>
      %add3A_402 = arith.addf %add3A_395, %get3A_401 : vector<16xf32>
      %add3A_403 = arith.constant 14 : i32
      %add3A_404 = arith.addi %mul3A_19, %add3A_403 : i32
      %get3A_405 = arith.index_cast %add3A_404 : i32 to index
      %get3A_406 = arith.constant 32 : index
      %get3A_407 = tpu.vector_load %arg6[%get3A_405, %get3A_406] {strides = array<i32>} : memref<640x64xf32, #tpu.memory_space<vmem>>, vector<1x16xf32>,
      %get3A_408 = vector.shape_cast %get3A_407 : vector<1x16xf32> to vector<16xf32>
      %add3A_409 = arith.addf %add3A_402, %get3A_408 : vector<16xf32>
      %add3A_410 = arith.constant 15 : i32
      %add3A_411 = arith.addi %mul3A_19, %add3A_410 : i32
      %get3A_412 = arith.index_cast %add3A_411 : i32 to index
      %get3A_413 = arith.constant 32 : index
      %get3A_414 = tpu.vector_load %arg6[%get3A_412, %get3A_413] {strides = array<i32>} : memref<640x64xf32, #tpu.memory_space<vmem>>, vector<1x16xf32>,
      %get3A_415 = vector.shape_cast %get3A_414 : vector<1x16xf32> to vector<16xf32>
      %add3A_416 = arith.addf %add3A_409, %get3A_415 : vector<16xf32>
      %add3A_417 = arith.constant 16 : i32
      %add3A_418 = arith.addi %mul3A_19, %add3A_417 : i32
      %get3A_419 = arith.index_cast %add3A_418 : i32 to index
      %get3A_420 = arith.constant 32 : index
      %get3A_421 = tpu.vector_load %arg6[%get3A_419, %get3A_420] {strides = array<i32>} : memref<640x64xf32, #tpu.memory_space<vmem>>, vector<1x16xf32>,
      %get3A_422 = vector.shape_cast %get3A_421 : vector<1x16xf32> to vector<16xf32>
      %add3A_423 = arith.addf %add3A_416, %get3A_422 : vector<16xf32>
      %add3A_424 = arith.constant 17 : i32
      %add3A_425 = arith.addi %mul3A_19, %add3A_424 : i32
      %get3A_426 = arith.index_cast %add3A_425 : i32 to index
      %get3A_427 = arith.constant 32 : index
      %get3A_428 = tpu.vector_load %arg6[%get3A_426, %get3A_427] {strides = array<i32>} : memref<640x64xf32, #tpu.memory_space<vmem>>, vector<1x16xf32>,
      %get3A_429 = vector.shape_cast %get3A_428 : vector<1x16xf32> to vector<16xf32>
      %add3A_430 = arith.addf %add3A_423, %get3A_429 : vector<16xf32>
      %add3A_431 = arith.constant 18 : i32
      %add3A_432 = arith.addi %mul3A_19, %add3A_431 : i32
      %get3A_433 = arith.index_cast %add3A_432 : i32 to index
      %get3A_434 = arith.constant 32 : index
      %get3A_435 = tpu.vector_load %arg6[%get3A_433, %get3A_434] {strides = array<i32>} : memref<640x64xf32, #tpu.memory_space<vmem>>, vector<1x16xf32>,
      %get3A_436 = vector.shape_cast %get3A_435 : vector<1x16xf32> to vector<16xf32>
      %add3A_437 = arith.addf %add3A_430, %get3A_436 : vector<16xf32>
      %add3A_438 = arith.constant 19 : i32
      %add3A_439 = arith.addi %mul3A_19, %add3A_438 : i32
      %get3A_440 = arith.index_cast %add3A_439 : i32 to index
      %get3A_441 = arith.constant 32 : index
      %get3A_442 = tpu.vector_load %arg6[%get3A_440, %get3A_441] {strides = array<i32>} : memref<640x64xf32, #tpu.memory_space<vmem>>, vector<1x16xf32>,
      %get3A_443 = vector.shape_cast %get3A_442 : vector<1x16xf32> to vector<16xf32>
      %add3A_444 = arith.addf %add3A_437, %get3A_443 : vector<16xf32>
      %mul3A_445 = arith.constant 5.000000e-02 : f32
      %mul3A_446 = vector.broadcast %mul3A_445 : f32 to vector<16xf32>
      %mul3A_447 = arith.mulf %add3A_444, %mul3A_446 : vector<16xf32>
      %swap3A_448 = arith.index_cast %add3A_17 : i32 to index
      %swap3A_449 = arith.constant 32 : index
      %swap3A_450 = tpu.vector_load %arg7[%swap3A_448, %swap3A_449] {strides = array<i32>} : memref<32x64xf32, #tpu.memory_space<vmem>>, vector<1x16xf32>,
      %swap3A_451 = vector.shape_cast %swap3A_450 : vector<1x16xf32> to vector<16xf32>
      %swap3A_452 = vector.shape_cast %mul3A_447 : vector<16xf32> to vector<1x16xf32>
      tpu.vector_store %arg7[%swap3A_448, %swap3A_449], %swap3A_452 {strides = array<i32>} : memref<32x64xf32, #tpu.memory_space<vmem>>, vector<1x16xf32>,
      %get3A_453 = arith.index_cast %mul3A_19 : i32 to index
      %get3A_454 = arith.constant 48 : index
      %get3A_455 = tpu.vector_load %arg6[%get3A_453, %get3A_454] {strides = array<i32>} : memref<640x64xf32, #tpu.memory_space<vmem>>, vector<1x16xf32>,
      %get3A_456 = vector.shape_cast %get3A_455 : vector<1x16xf32> to vector<16xf32>
      %add3A_457 = arith.constant 1 : i32
      %add3A_458 = arith.addi %mul3A_19, %add3A_457 : i32
      %get3A_459 = arith.index_cast %add3A_458 : i32 to index
      %get3A_460 = arith.constant 48 : index
      %get3A_461 = tpu.vector_load %arg6[%get3A_459, %get3A_460] {strides = array<i32>} : memref<640x64xf32, #tpu.memory_space<vmem>>, vector<1x16xf32>,
      %get3A_462 = vector.shape_cast %get3A_461 : vector<1x16xf32> to vector<16xf32>
      %add3A_463 = arith.addf %get3A_456, %get3A_462 : vector<16xf32>
      %add3A_464 = arith.constant 2 : i32
      %add3A_465 = arith.addi %mul3A_19, %add3A_464 : i32
      %get3A_466 = arith.index_cast %add3A_465 : i32 to index
      %get3A_467 = arith.constant 48 : index
      %get3A_468 = tpu.vector_load %arg6[%get3A_466, %get3A_467] {strides = array<i32>} : memref<640x64xf32, #tpu.memory_space<vmem>>, vector<1x16xf32>,
      %get3A_469 = vector.shape_cast %get3A_468 : vector<1x16xf32> to vector<16xf32>
      %add3A_470 = arith.addf %add3A_463, %get3A_469 : vector<16xf32>
      %add3A_471 = arith.constant 3 : i32
      %add3A_472 = arith.addi %mul3A_19, %add3A_471 : i32
      %get3A_473 = arith.index_cast %add3A_472 : i32 to index
      %get3A_474 = arith.constant 48 : index
      %get3A_475 = tpu.vector_load %arg6[%get3A_473, %get3A_474] {strides = array<i32>} : memref<640x64xf32, #tpu.memory_space<vmem>>, vector<1x16xf32>,
      %get3A_476 = vector.shape_cast %get3A_475 : vector<1x16xf32> to vector<16xf32>
      %add3A_477 = arith.addf %add3A_470, %get3A_476 : vector<16xf32>
      %add3A_478 = arith.constant 4 : i32
      %add3A_479 = arith.addi %mul3A_19, %add3A_478 : i32
      %get3A_480 = arith.index_cast %add3A_479 : i32 to index
      %get3A_481 = arith.constant 48 : index
      %get3A_482 = tpu.vector_load %arg6[%get3A_480, %get3A_481] {strides = array<i32>} : memref<640x64xf32, #tpu.memory_space<vmem>>, vector<1x16xf32>,
      %get3A_483 = vector.shape_cast %get3A_482 : vector<1x16xf32> to vector<16xf32>
      %add3A_484 = arith.addf %add3A_477, %get3A_483 : vector<16xf32>
      %add3A_485 = arith.constant 5 : i32
      %add3A_486 = arith.addi %mul3A_19, %add3A_485 : i32
      %get3A_487 = arith.index_cast %add3A_486 : i32 to index
      %get3A_488 = arith.constant 48 : index
      %get3A_489 = tpu.vector_load %arg6[%get3A_487, %get3A_488] {strides = array<i32>} : memref<640x64xf32, #tpu.memory_space<vmem>>, vector<1x16xf32>,
      %get3A_490 = vector.shape_cast %get3A_489 : vector<1x16xf32> to vector<16xf32>
      %add3A_491 = arith.addf %add3A_484, %get3A_490 : vector<16xf32>
      %add3A_492 = arith.constant 6 : i32
      %add3A_493 = arith.addi %mul3A_19, %add3A_492 : i32
      %get3A_494 = arith.index_cast %add3A_493 : i32 to index
      %get3A_495 = arith.constant 48 : index
      %get3A_496 = tpu.vector_load %arg6[%get3A_494, %get3A_495] {strides = array<i32>} : memref<640x64xf32, #tpu.memory_space<vmem>>, vector<1x16xf32>,
      %get3A_497 = vector.shape_cast %get3A_496 : vector<1x16xf32> to vector<16xf32>
      %add3A_498 = arith.addf %add3A_491, %get3A_497 : vector<16xf32>
      %add3A_499 = arith.constant 7 : i32
      %add3A_500 = arith.addi %mul3A_19, %add3A_499 : i32
      %get3A_501 = arith.index_cast %add3A_500 : i32 to index
      %get3A_502 = arith.constant 48 : index
      %get3A_503 = tpu.vector_load %arg6[%get3A_501, %get3A_502] {strides = array<i32>} : memref<640x64xf32, #tpu.memory_space<vmem>>, vector<1x16xf32>,
      %get3A_504 = vector.shape_cast %get3A_503 : vector<1x16xf32> to vector<16xf32>
      %add3A_505 = arith.addf %add3A_498, %get3A_504 : vector<16xf32>
      %add3A_506 = arith.constant 8 : i32
      %add3A_507 = arith.addi %mul3A_19, %add3A_506 : i32
      %get3A_508 = arith.index_cast %add3A_507 : i32 to index
      %get3A_509 = arith.constant 48 : index
      %get3A_510 = tpu.vector_load %arg6[%get3A_508, %get3A_509] {strides = array<i32>} : memref<640x64xf32, #tpu.memory_space<vmem>>, vector<1x16xf32>,
      %get3A_511 = vector.shape_cast %get3A_510 : vector<1x16xf32> to vector<16xf32>
      %add3A_512 = arith.addf %add3A_505, %get3A_511 : vector<16xf32>
      %add3A_513 = arith.constant 9 : i32
      %add3A_514 = arith.addi %mul3A_19, %add3A_513 : i32
      %get3A_515 = arith.index_cast %add3A_514 : i32 to index
      %get3A_516 = arith.constant 48 : index
      %get3A_517 = tpu.vector_load %arg6[%get3A_515, %get3A_516] {strides = array<i32>} : memref<640x64xf32, #tpu.memory_space<vmem>>, vector<1x16xf32>,
      %get3A_518 = vector.shape_cast %get3A_517 : vector<1x16xf32> to vector<16xf32>
      %add3A_519 = arith.addf %add3A_512, %get3A_518 : vector<16xf32>
      %add3A_520 = arith.constant 10 : i32
      %add3A_521 = arith.addi %mul3A_19, %add3A_520 : i32
      %get3A_522 = arith.index_cast %add3A_521 : i32 to index
      %get3A_523 = arith.constant 48 : index
      %get3A_524 = tpu.vector_load %arg6[%get3A_522, %get3A_523] {strides = array<i32>} : memref<640x64xf32, #tpu.memory_space<vmem>>, vector<1x16xf32>,
      %get3A_525 = vector.shape_cast %get3A_524 : vector<1x16xf32> to vector<16xf32>
      %add3A_526 = arith.addf %add3A_519, %get3A_525 : vector<16xf32>
      %add3A_527 = arith.constant 11 : i32
      %add3A_528 = arith.addi %mul3A_19, %add3A_527 : i32
      %get3A_529 = arith.index_cast %add3A_528 : i32 to index
      %get3A_530 = arith.constant 48 : index
      %get3A_531 = tpu.vector_load %arg6[%get3A_529, %get3A_530] {strides = array<i32>} : memref<640x64xf32, #tpu.memory_space<vmem>>, vector<1x16xf32>,
      %get3A_532 = vector.shape_cast %get3A_531 : vector<1x16xf32> to vector<16xf32>
      %add3A_533 = arith.addf %add3A_526, %get3A_532 : vector<16xf32>
      %add3A_534 = arith.constant 12 : i32
      %add3A_535 = arith.addi %mul3A_19, %add3A_534 : i32
      %get3A_536 = arith.index_cast %add3A_535 : i32 to index
      %get3A_537 = arith.constant 48 : index
      %get3A_538 = tpu.vector_load %arg6[%get3A_536, %get3A_537] {strides = array<i32>} : memref<640x64xf32, #tpu.memory_space<vmem>>, vector<1x16xf32>,
      %get3A_539 = vector.shape_cast %get3A_538 : vector<1x16xf32> to vector<16xf32>
      %add3A_540 = arith.addf %add3A_533, %get3A_539 : vector<16xf32>
      %add3A_541 = arith.constant 13 : i32
      %add3A_542 = arith.addi %mul3A_19, %add3A_541 : i32
      %get3A_543 = arith.index_cast %add3A_542 : i32 to index
      %get3A_544 = arith.constant 48 : index
      %get3A_545 = tpu.vector_load %arg6[%get3A_543, %get3A_544] {strides = array<i32>} : memref<640x64xf32, #tpu.memory_space<vmem>>, vector<1x16xf32>,
      %get3A_546 = vector.shape_cast %get3A_545 : vector<1x16xf32> to vector<16xf32>
      %add3A_547 = arith.addf %add3A_540, %get3A_546 : vector<16xf32>
      %add3A_548 = arith.constant 14 : i32
      %add3A_549 = arith.addi %mul3A_19, %add3A_548 : i32
      %get3A_550 = arith.index_cast %add3A_549 : i32 to index
      %get3A_551 = arith.constant 48 : index
      %get3A_552 = tpu.vector_load %arg6[%get3A_550, %get3A_551] {strides = array<i32>} : memref<640x64xf32, #tpu.memory_space<vmem>>, vector<1x16xf32>,
      %get3A_553 = vector.shape_cast %get3A_552 : vector<1x16xf32> to vector<16xf32>
      %add3A_554 = arith.addf %add3A_547, %get3A_553 : vector<16xf32>
      %add3A_555 = arith.constant 15 : i32
      %add3A_556 = arith.addi %mul3A_19, %add3A_555 : i32
      %get3A_557 = arith.index_cast %add3A_556 : i32 to index
      %get3A_558 = arith.constant 48 : index
      %get3A_559 = tpu.vector_load %arg6[%get3A_557, %get3A_558] {strides = array<i32>} : memref<640x64xf32, #tpu.memory_space<vmem>>, vector<1x16xf32>,
      %get3A_560 = vector.shape_cast %get3A_559 : vector<1x16xf32> to vector<16xf32>
      %add3A_561 = arith.addf %add3A_554, %get3A_560 : vector<16xf32>
      %add3A_562 = arith.constant 16 : i32
      %add3A_563 = arith.addi %mul3A_19, %add3A_562 : i32
      %get3A_564 = arith.index_cast %add3A_563 : i32 to index
      %get3A_565 = arith.constant 48 : index
      %get3A_566 = tpu.vector_load %arg6[%get3A_564, %get3A_565] {strides = array<i32>} : memref<640x64xf32, #tpu.memory_space<vmem>>, vector<1x16xf32>,
      %get3A_567 = vector.shape_cast %get3A_566 : vector<1x16xf32> to vector<16xf32>
      %add3A_568 = arith.addf %add3A_561, %get3A_567 : vector<16xf32>
      %add3A_569 = arith.constant 17 : i32
      %add3A_570 = arith.addi %mul3A_19, %add3A_569 : i32
      %get3A_571 = arith.index_cast %add3A_570 : i32 to index
      %get3A_572 = arith.constant 48 : index
      %get3A_573 = tpu.vector_load %arg6[%get3A_571, %get3A_572] {strides = array<i32>} : memref<640x64xf32, #tpu.memory_space<vmem>>, vector<1x16xf32>,
      %get3A_574 = vector.shape_cast %get3A_573 : vector<1x16xf32> to vector<16xf32>
      %add3A_575 = arith.addf %add3A_568, %get3A_574 : vector<16xf32>
      %add3A_576 = arith.constant 18 : i32
      %add3A_577 = arith.addi %mul3A_19, %add3A_576 : i32
      %get3A_578 = arith.index_cast %add3A_577 : i32 to index
      %get3A_579 = arith.constant 48 : index
      %get3A_580 = tpu.vector_load %arg6[%get3A_578, %get3A_579] {strides = array<i32>} : memref<640x64xf32, #tpu.memory_space<vmem>>, vector<1x16xf32>,
      %get3A_581 = vector.shape_cast %get3A_580 : vector<1x16xf32> to vector<16xf32>
      %add3A_582 = arith.addf %add3A_575, %get3A_581 : vector<16xf32>
      %add3A_583 = arith.constant 19 : i32
      %add3A_584 = arith.addi %mul3A_19, %add3A_583 : i32
      %get3A_585 = arith.index_cast %add3A_584 : i32 to index
      %get3A_586 = arith.constant 48 : index
      %get3A_587 = tpu.vector_load %arg6[%get3A_585, %get3A_586] {strides = array<i32>} : memref<640x64xf32, #tpu.memory_space<vmem>>, vector<1x16xf32>,
      %get3A_588 = vector.shape_cast %get3A_587 : vector<1x16xf32> to vector<16xf32>
      %add3A_589 = arith.addf %add3A_582, %get3A_588 : vector<16xf32>
      %mul3A_590 = arith.constant 5.000000e-02 : f32
      %mul3A_591 = vector.broadcast %mul3A_590 : f32 to vector<16xf32>
      %mul3A_592 = arith.mulf %add3A_589, %mul3A_591 : vector<16xf32>
      %swap3A_593 = arith.index_cast %add3A_17 : i32 to index
      %swap3A_594 = arith.constant 48 : index
      %swap3A_595 = tpu.vector_load %arg7[%swap3A_593, %swap3A_594] {strides = array<i32>} : memref<32x64xf32, #tpu.memory_space<vmem>>, vector<1x16xf32>,
      %swap3A_596 = vector.shape_cast %swap3A_595 : vector<1x16xf32> to vector<16xf32>
      %swap3A_597 = vector.shape_cast %mul3A_592 : vector<16xf32> to vector<1x16xf32>
      tpu.vector_store %arg7[%swap3A_593, %swap3A_594], %swap3A_597 {strides = array<i32>} : memref<32x64xf32, #tpu.memory_space<vmem>>, vector<1x16xf32>,
    }
    %scan3A_12 = arith.constant 32 : i32
    "tpu.region"() ({
      %run_scoped3A = tpu.sem_alloc : memref<!tpu.dma_semaphore, #tpu.memory_space<semaphore_mem>>
      %dma_start3A_13 = arith.constant 0 : i32
      %dma_start3A_14 = tpu.memref_slice %arg4[%mul3A_2, %dma_start3A_13] : memref<1024x64xf32, #tpu.memory_space<hbm>> -> memref<32x64xf32, #tpu.memory_space<hbm>>
      %dma_start3A_15 = arith.constant 0 : i32
      %dma_start3A_16 = tpu.memref_slice %arg4[%mul3A_2, %dma_start3A_15] : memref<1024x64xf32, #tpu.memory_space<hbm>> -> memref<32x64xf32, #tpu.memory_space<hbm>>
      tpu.enqueue_dma source(%arg7 : memref<32x64xf32, #tpu.memory_space<vmem>>) target(%dma_start3A_16 : memref<32x64xf32, #tpu.memory_space<hbm>>) target_semaphore(%run_scoped3A : memref<!tpu.dma_semaphore, #tpu.memory_space<semaphore_mem>>)
      %dma_wait3A_17 = arith.constant 0 : i32
      %dma_wait3A_18 = tpu.memref_slice %arg4[%mul3A_2, %dma_wait3A_17] : memref<1024x64xf32, #tpu.memory_space<hbm>> -> memref<32x64xf32, #tpu.memory_space<hbm>>
      %dma_wait3A_19 = arith.constant 0 : i32
      %dma_wait3A_20 = tpu.memref_slice %arg4[%mul3A_2, %dma_wait3A_19] : memref<1024x64xf32, #tpu.memory_space<hbm>> -> memref<32x64xf32, #tpu.memory_space<hbm>>
      tpu.wait_dma2 semaphore(%run_scoped3A : memref<!tpu.dma_semaphore, #tpu.memory_space<semaphore_mem>>) src(%arg7 : memref<32x64xf32, #tpu.memory_space<vmem>>) dst(%dma_wait3A_20 : memref<32x64xf32, #tpu.memory_space<hbm>>)
      tpu.yield
    }) : () -> ()
    return
  }
}

module attributes {stable_mosaic.version = 14 : i64} {
  func.func @_tc_body(%arg0: i32, %arg1: i32, %arg2: memref<1024x64xf32, #tpu.memory_space<vmem>>, %arg3: memref<1024x64xf32, #tpu.memory_space<vmem>>, %arg4: memref<1x100000xf32, #tpu.memory_space<vmem>>, %arg5: memref<1024x1024xf32, #tpu.memory_space<vmem>>, %arg6: memref<98x1x1024xf32, #tpu.memory_space<vmem>>, %arg7: memref<1024x64xbf16, #tpu.memory_space<vmem>>, %arg8: memref<1024x128xf32, #tpu.memory_space<vmem>>, %arg9: memref<1024x128xf32, #tpu.memory_space<vmem>>, %arg10: memref<1024x128xf32, #tpu.memory_space<vmem>>) attributes {dimension_semantics = [#tpu.dimension_semantics<arbitrary>, #tpu.dimension_semantics<arbitrary>], iteration_bounds = array<i64: 2, 98>, scalar_prefetch = 0 : i64, scratch_operands = 5 : i64, tpu.core_type = #tpu.core_type<tc>, window_params = [{pipeline_mode = #tpu.pipeline_mode<synchronous>, transform_indices = @transform_0, window_bounds = array<i64: 1024, 64>}, {transform_indices = @transform_1, window_bounds = array<i64: 1024, 64>}, {pipeline_mode = #tpu.pipeline_mode<synchronous>, transform_indices = @transform_2, window_bounds = array<i64: 1, 100000>}, {transform_indices = @transform_3, window_bounds = array<i64: 1024, 1024>}]} {
    %eq3A = arith.constant 0 : i32
    %eq3A_0 = arith.cmpi eq, %arg0, %eq3A : i32
    %eq3A_1 = arith.constant 0 : i32
    %eq3A_2 = arith.cmpi eq, %arg1, %eq3A_1 : i32
    %and3A = arith.andi %eq3A_0, %eq3A_2 : i1
    %convert_element_type3A = arith.extui %and3A : i1 to i32
    %cond3A = arith.constant 0 : i32
    %cond3A_3 = arith.cmpi ne, %convert_element_type3A, %cond3A : i32
    scf.if %cond3A_3 {
      %get3A = arith.constant 0 : index
      %get3A_14 = arith.constant 0 : index
      %get3A_15 = vector.load %arg2[%get3A, %get3A_14] : memref<1024x64xf32, #tpu.memory_space<vmem>>, vector<1024x64xf32>
      %convert_element_type3A_16 = arith.truncf %get3A_15 : vector<1024x64xf32> to vector<1024x64xbf16>
      %swap3A = arith.constant 0 : index
      %swap3A_17 = arith.constant 0 : index
      %swap3A_18 = vector.load %arg7[%swap3A, %swap3A_17] : memref<1024x64xbf16, #tpu.memory_space<vmem>>, vector<1024x64xbf16>
      tpu.vector_store %arg7[%swap3A, %swap3A_17], %convert_element_type3A_16 {strides = array<i32>} : memref<1024x64xbf16, #tpu.memory_space<vmem>>, vector<1024x64xbf16>,
      %broadcast_in_dim3A = arith.constant -1.000000e+30 : f32
      %broadcast_in_dim3A_19 = vector.broadcast %broadcast_in_dim3A : f32 to vector<1024x128xf32>
      %swap3A_20 = arith.constant 0 : index
      %swap3A_21 = arith.constant 0 : index
      %swap3A_22 = vector.load %arg8[%swap3A_20, %swap3A_21] : memref<1024x128xf32, #tpu.memory_space<vmem>>, vector<1024x128xf32>
      tpu.vector_store %arg8[%swap3A_20, %swap3A_21], %broadcast_in_dim3A_19 {strides = array<i32>} : memref<1024x128xf32, #tpu.memory_space<vmem>>, vector<1024x128xf32>,
      %broadcast_in_dim3A_23 = arith.constant 0.000000e+00 : f32
      %broadcast_in_dim3A_24 = vector.broadcast %broadcast_in_dim3A_23 : f32 to vector<1024x128xf32>
      %swap3A_25 = arith.constant 0 : index
      %swap3A_26 = arith.constant 0 : index
      %swap3A_27 = vector.load %arg9[%swap3A_25, %swap3A_26] : memref<1024x128xf32, #tpu.memory_space<vmem>>, vector<1024x128xf32>
      tpu.vector_store %arg9[%swap3A_25, %swap3A_26], %broadcast_in_dim3A_24 {strides = array<i32>} : memref<1024x128xf32, #tpu.memory_space<vmem>>, vector<1024x128xf32>,
      %get3A_28 = arith.constant 0 : index
      %get3A_29 = arith.constant 0 : index
      %get3A_30 = vector.load %arg4[%get3A_28, %get3A_29] : memref<1x100000xf32, #tpu.memory_space<vmem>>, vector<1x1024xf32>
      %swap3A_31 = arith.constant 0 : index
      %swap3A_32 = arith.constant 0 : index
      %swap3A_33 = arith.constant 0 : index
      %swap3A_34 = vector.load %arg6[%swap3A_31, %swap3A_32, %swap3A_33] : memref<98x1x1024xf32, #tpu.memory_space<vmem>>, vector<1x1x1024xf32>
      %swap3A_35 = vector.shape_cast %swap3A_34 : vector<1x1x1024xf32> to vector<1x1024xf32>
      %swap3A_36 = vector.shape_cast %get3A_30 : vector<1x1024xf32> to vector<1x1x1024xf32>
      tpu.vector_store %arg6[%swap3A_31, %swap3A_32, %swap3A_33], %swap3A_36 {strides = array<i32>} : memref<98x1x1024xf32, #tpu.memory_space<vmem>>, vector<1x1x1024xf32>,
      %get3A_37 = arith.constant 0 : index
      %get3A_38 = arith.constant 1024 : index
      %get3A_39 = vector.load %arg4[%get3A_37, %get3A_38] : memref<1x100000xf32, #tpu.memory_space<vmem>>, vector<1x1024xf32>
      %swap3A_40 = arith.constant 1 : index
      %swap3A_41 = arith.constant 0 : index
      %swap3A_42 = arith.constant 0 : index
      %swap3A_43 = vector.load %arg6[%swap3A_40, %swap3A_41, %swap3A_42] : memref<98x1x1024xf32, #tpu.memory_space<vmem>>, vector<1x1x1024xf32>
      %swap3A_44 = vector.shape_cast %swap3A_43 : vector<1x1x1024xf32> to vector<1x1024xf32>
      %swap3A_45 = vector.shape_cast %get3A_39 : vector<1x1024xf32> to vector<1x1x1024xf32>
      tpu.vector_store %arg6[%swap3A_40, %swap3A_41, %swap3A_42], %swap3A_45 {strides = array<i32>} : memref<98x1x1024xf32, #tpu.memory_space<vmem>>, vector<1x1x1024xf32>,
      %get3A_46 = arith.constant 0 : index
      %get3A_47 = arith.constant 2048 : index
      %get3A_48 = vector.load %arg4[%get3A_46, %get3A_47] : memref<1x100000xf32, #tpu.memory_space<vmem>>, vector<1x1024xf32>
      %swap3A_49 = arith.constant 2 : index
      %swap3A_50 = arith.constant 0 : index
      %swap3A_51 = arith.constant 0 : index
      %swap3A_52 = vector.load %arg6[%swap3A_49, %swap3A_50, %swap3A_51] : memref<98x1x1024xf32, #tpu.memory_space<vmem>>, vector<1x1x1024xf32>
      %swap3A_53 = vector.shape_cast %swap3A_52 : vector<1x1x1024xf32> to vector<1x1024xf32>
      %swap3A_54 = vector.shape_cast %get3A_48 : vector<1x1024xf32> to vector<1x1x1024xf32>
      tpu.vector_store %arg6[%swap3A_49, %swap3A_50, %swap3A_51], %swap3A_54 {strides = array<i32>} : memref<98x1x1024xf32, #tpu.memory_space<vmem>>, vector<1x1x1024xf32>,
      %get3A_55 = arith.constant 0 : index
      %get3A_56 = arith.constant 3072 : index
      %get3A_57 = vector.load %arg4[%get3A_55, %get3A_56] : memref<1x100000xf32, #tpu.memory_space<vmem>>, vector<1x1024xf32>
      %swap3A_58 = arith.constant 3 : index
      %swap3A_59 = arith.constant 0 : index
      %swap3A_60 = arith.constant 0 : index
      %swap3A_61 = vector.load %arg6[%swap3A_58, %swap3A_59, %swap3A_60] : memref<98x1x1024xf32, #tpu.memory_space<vmem>>, vector<1x1x1024xf32>
      %swap3A_62 = vector.shape_cast %swap3A_61 : vector<1x1x1024xf32> to vector<1x1024xf32>
      %swap3A_63 = vector.shape_cast %get3A_57 : vector<1x1024xf32> to vector<1x1x1024xf32>
      tpu.vector_store %arg6[%swap3A_58, %swap3A_59, %swap3A_60], %swap3A_63 {strides = array<i32>} : memref<98x1x1024xf32, #tpu.memory_space<vmem>>, vector<1x1x1024xf32>,
      %get3A_64 = arith.constant 0 : index
      %get3A_65 = arith.constant 4096 : index
      %get3A_66 = vector.load %arg4[%get3A_64, %get3A_65] : memref<1x100000xf32, #tpu.memory_space<vmem>>, vector<1x1024xf32>
      %swap3A_67 = arith.constant 4 : index
      %swap3A_68 = arith.constant 0 : index
      %swap3A_69 = arith.constant 0 : index
      %swap3A_70 = vector.load %arg6[%swap3A_67, %swap3A_68, %swap3A_69] : memref<98x1x1024xf32, #tpu.memory_space<vmem>>, vector<1x1x1024xf32>
      %swap3A_71 = vector.shape_cast %swap3A_70 : vector<1x1x1024xf32> to vector<1x1024xf32>
      %swap3A_72 = vector.shape_cast %get3A_66 : vector<1x1024xf32> to vector<1x1x1024xf32>
      tpu.vector_store %arg6[%swap3A_67, %swap3A_68, %swap3A_69], %swap3A_72 {strides = array<i32>} : memref<98x1x1024xf32, #tpu.memory_space<vmem>>, vector<1x1x1024xf32>,
      %get3A_73 = arith.constant 0 : index
      %get3A_74 = arith.constant 5120 : index
      %get3A_75 = vector.load %arg4[%get3A_73, %get3A_74] : memref<1x100000xf32, #tpu.memory_space<vmem>>, vector<1x1024xf32>
      %swap3A_76 = arith.constant 5 : index
      %swap3A_77 = arith.constant 0 : index
      %swap3A_78 = arith.constant 0 : index
      %swap3A_79 = vector.load %arg6[%swap3A_76, %swap3A_77, %swap3A_78] : memref<98x1x1024xf32, #tpu.memory_space<vmem>>, vector<1x1x1024xf32>
      %swap3A_80 = vector.shape_cast %swap3A_79 : vector<1x1x1024xf32> to vector<1x1024xf32>
      %swap3A_81 = vector.shape_cast %get3A_75 : vector<1x1024xf32> to vector<1x1x1024xf32>
      tpu.vector_store %arg6[%swap3A_76, %swap3A_77, %swap3A_78], %swap3A_81 {strides = array<i32>} : memref<98x1x1024xf32, #tpu.memory_space<vmem>>, vector<1x1x1024xf32>,
      %get3A_82 = arith.constant 0 : index
      %get3A_83 = arith.constant 6144 : index
      %get3A_84 = vector.load %arg4[%get3A_82, %get3A_83] : memref<1x100000xf32, #tpu.memory_space<vmem>>, vector<1x1024xf32>
      %swap3A_85 = arith.constant 6 : index
      %swap3A_86 = arith.constant 0 : index
      %swap3A_87 = arith.constant 0 : index
      %swap3A_88 = vector.load %arg6[%swap3A_85, %swap3A_86, %swap3A_87] : memref<98x1x1024xf32, #tpu.memory_space<vmem>>, vector<1x1x1024xf32>
      %swap3A_89 = vector.shape_cast %swap3A_88 : vector<1x1x1024xf32> to vector<1x1024xf32>
      %swap3A_90 = vector.shape_cast %get3A_84 : vector<1x1024xf32> to vector<1x1x1024xf32>
      tpu.vector_store %arg6[%swap3A_85, %swap3A_86, %swap3A_87], %swap3A_90 {strides = array<i32>} : memref<98x1x1024xf32, #tpu.memory_space<vmem>>, vector<1x1x1024xf32>,
      %get3A_91 = arith.constant 0 : index
      %get3A_92 = arith.constant 7168 : index
      %get3A_93 = vector.load %arg4[%get3A_91, %get3A_92] : memref<1x100000xf32, #tpu.memory_space<vmem>>, vector<1x1024xf32>
      %swap3A_94 = arith.constant 7 : index
      %swap3A_95 = arith.constant 0 : index
      %swap3A_96 = arith.constant 0 : index
      %swap3A_97 = vector.load %arg6[%swap3A_94, %swap3A_95, %swap3A_96] : memref<98x1x1024xf32, #tpu.memory_space<vmem>>, vector<1x1x1024xf32>
      %swap3A_98 = vector.shape_cast %swap3A_97 : vector<1x1x1024xf32> to vector<1x1024xf32>
      %swap3A_99 = vector.shape_cast %get3A_93 : vector<1x1024xf32> to vector<1x1x1024xf32>
      tpu.vector_store %arg6[%swap3A_94, %swap3A_95, %swap3A_96], %swap3A_99 {strides = array<i32>} : memref<98x1x1024xf32, #tpu.memory_space<vmem>>, vector<1x1x1024xf32>,
      %get3A_100 = arith.constant 0 : index
      %get3A_101 = arith.constant 8192 : index
      %get3A_102 = vector.load %arg4[%get3A_100, %get3A_101] : memref<1x100000xf32, #tpu.memory_space<vmem>>, vector<1x1024xf32>
      %swap3A_103 = arith.constant 8 : index
      %swap3A_104 = arith.constant 0 : index
      %swap3A_105 = arith.constant 0 : index
      %swap3A_106 = vector.load %arg6[%swap3A_103, %swap3A_104, %swap3A_105] : memref<98x1x1024xf32, #tpu.memory_space<vmem>>, vector<1x1x1024xf32>
      %swap3A_107 = vector.shape_cast %swap3A_106 : vector<1x1x1024xf32> to vector<1x1024xf32>
      %swap3A_108 = vector.shape_cast %get3A_102 : vector<1x1024xf32> to vector<1x1x1024xf32>
      tpu.vector_store %arg6[%swap3A_103, %swap3A_104, %swap3A_105], %swap3A_108 {strides = array<i32>} : memref<98x1x1024xf32, #tpu.memory_space<vmem>>, vector<1x1x1024xf32>,
      %get3A_109 = arith.constant 0 : index
      %get3A_110 = arith.constant 9216 : index
      %get3A_111 = vector.load %arg4[%get3A_109, %get3A_110] : memref<1x100000xf32, #tpu.memory_space<vmem>>, vector<1x1024xf32>
      %swap3A_112 = arith.constant 9 : index
      %swap3A_113 = arith.constant 0 : index
      %swap3A_114 = arith.constant 0 : index
      %swap3A_115 = vector.load %arg6[%swap3A_112, %swap3A_113, %swap3A_114] : memref<98x1x1024xf32, #tpu.memory_space<vmem>>, vector<1x1x1024xf32>
      %swap3A_116 = vector.shape_cast %swap3A_115 : vector<1x1x1024xf32> to vector<1x1024xf32>
      %swap3A_117 = vector.shape_cast %get3A_111 : vector<1x1024xf32> to vector<1x1x1024xf32>
      tpu.vector_store %arg6[%swap3A_112, %swap3A_113, %swap3A_114], %swap3A_117 {strides = array<i32>} : memref<98x1x1024xf32, #tpu.memory_space<vmem>>, vector<1x1x1024xf32>,
      %get3A_118 = arith.constant 0 : index
      %get3A_119 = arith.constant 10240 : index
      %get3A_120 = vector.load %arg4[%get3A_118, %get3A_119] : memref<1x100000xf32, #tpu.memory_space<vmem>>, vector<1x1024xf32>
      %swap3A_121 = arith.constant 10 : index
      %swap3A_122 = arith.constant 0 : index
      %swap3A_123 = arith.constant 0 : index
      %swap3A_124 = vector.load %arg6[%swap3A_121, %swap3A_122, %swap3A_123] : memref<98x1x1024xf32, #tpu.memory_space<vmem>>, vector<1x1x1024xf32>
      %swap3A_125 = vector.shape_cast %swap3A_124 : vector<1x1x1024xf32> to vector<1x1024xf32>
      %swap3A_126 = vector.shape_cast %get3A_120 : vector<1x1024xf32> to vector<1x1x1024xf32>
      tpu.vector_store %arg6[%swap3A_121, %swap3A_122, %swap3A_123], %swap3A_126 {strides = array<i32>} : memref<98x1x1024xf32, #tpu.memory_space<vmem>>, vector<1x1x1024xf32>,
      %get3A_127 = arith.constant 0 : index
      %get3A_128 = arith.constant 11264 : index
      %get3A_129 = vector.load %arg4[%get3A_127, %get3A_128] : memref<1x100000xf32, #tpu.memory_space<vmem>>, vector<1x1024xf32>
      %swap3A_130 = arith.constant 11 : index
      %swap3A_131 = arith.constant 0 : index
      %swap3A_132 = arith.constant 0 : index
      %swap3A_133 = vector.load %arg6[%swap3A_130, %swap3A_131, %swap3A_132] : memref<98x1x1024xf32, #tpu.memory_space<vmem>>, vector<1x1x1024xf32>
      %swap3A_134 = vector.shape_cast %swap3A_133 : vector<1x1x1024xf32> to vector<1x1024xf32>
      %swap3A_135 = vector.shape_cast %get3A_129 : vector<1x1024xf32> to vector<1x1x1024xf32>
      tpu.vector_store %arg6[%swap3A_130, %swap3A_131, %swap3A_132], %swap3A_135 {strides = array<i32>} : memref<98x1x1024xf32, #tpu.memory_space<vmem>>, vector<1x1x1024xf32>,
      %get3A_136 = arith.constant 0 : index
      %get3A_137 = arith.constant 12288 : index
      %get3A_138 = vector.load %arg4[%get3A_136, %get3A_137] : memref<1x100000xf32, #tpu.memory_space<vmem>>, vector<1x1024xf32>
      %swap3A_139 = arith.constant 12 : index
      %swap3A_140 = arith.constant 0 : index
      %swap3A_141 = arith.constant 0 : index
      %swap3A_142 = vector.load %arg6[%swap3A_139, %swap3A_140, %swap3A_141] : memref<98x1x1024xf32, #tpu.memory_space<vmem>>, vector<1x1x1024xf32>
      %swap3A_143 = vector.shape_cast %swap3A_142 : vector<1x1x1024xf32> to vector<1x1024xf32>
      %swap3A_144 = vector.shape_cast %get3A_138 : vector<1x1024xf32> to vector<1x1x1024xf32>
      tpu.vector_store %arg6[%swap3A_139, %swap3A_140, %swap3A_141], %swap3A_144 {strides = array<i32>} : memref<98x1x1024xf32, #tpu.memory_space<vmem>>, vector<1x1x1024xf32>,
      %get3A_145 = arith.constant 0 : index
      %get3A_146 = arith.constant 13312 : index
      %get3A_147 = vector.load %arg4[%get3A_145, %get3A_146] : memref<1x100000xf32, #tpu.memory_space<vmem>>, vector<1x1024xf32>
      %swap3A_148 = arith.constant 13 : index
      %swap3A_149 = arith.constant 0 : index
      %swap3A_150 = arith.constant 0 : index
      %swap3A_151 = vector.load %arg6[%swap3A_148, %swap3A_149, %swap3A_150] : memref<98x1x1024xf32, #tpu.memory_space<vmem>>, vector<1x1x1024xf32>
      %swap3A_152 = vector.shape_cast %swap3A_151 : vector<1x1x1024xf32> to vector<1x1024xf32>
      %swap3A_153 = vector.shape_cast %get3A_147 : vector<1x1024xf32> to vector<1x1x1024xf32>
      tpu.vector_store %arg6[%swap3A_148, %swap3A_149, %swap3A_150], %swap3A_153 {strides = array<i32>} : memref<98x1x1024xf32, #tpu.memory_space<vmem>>, vector<1x1x1024xf32>,
      %get3A_154 = arith.constant 0 : index
      %get3A_155 = arith.constant 14336 : index
      %get3A_156 = vector.load %arg4[%get3A_154, %get3A_155] : memref<1x100000xf32, #tpu.memory_space<vmem>>, vector<1x1024xf32>
      %swap3A_157 = arith.constant 14 : index
      %swap3A_158 = arith.constant 0 : index
      %swap3A_159 = arith.constant 0 : index
      %swap3A_160 = vector.load %arg6[%swap3A_157, %swap3A_158, %swap3A_159] : memref<98x1x1024xf32, #tpu.memory_space<vmem>>, vector<1x1x1024xf32>
      %swap3A_161 = vector.shape_cast %swap3A_160 : vector<1x1x1024xf32> to vector<1x1024xf32>
      %swap3A_162 = vector.shape_cast %get3A_156 : vector<1x1024xf32> to vector<1x1x1024xf32>
      tpu.vector_store %arg6[%swap3A_157, %swap3A_158, %swap3A_159], %swap3A_162 {strides = array<i32>} : memref<98x1x1024xf32, #tpu.memory_space<vmem>>, vector<1x1x1024xf32>,
      %get3A_163 = arith.constant 0 : index
      %get3A_164 = arith.constant 15360 : index
      %get3A_165 = vector.load %arg4[%get3A_163, %get3A_164] : memref<1x100000xf32, #tpu.memory_space<vmem>>, vector<1x1024xf32>
      %swap3A_166 = arith.constant 15 : index
      %swap3A_167 = arith.constant 0 : index
      %swap3A_168 = arith.constant 0 : index
      %swap3A_169 = vector.load %arg6[%swap3A_166, %swap3A_167, %swap3A_168] : memref<98x1x1024xf32, #tpu.memory_space<vmem>>, vector<1x1x1024xf32>
      %swap3A_170 = vector.shape_cast %swap3A_169 : vector<1x1x1024xf32> to vector<1x1024xf32>
      %swap3A_171 = vector.shape_cast %get3A_165 : vector<1x1024xf32> to vector<1x1x1024xf32>
      tpu.vector_store %arg6[%swap3A_166, %swap3A_167, %swap3A_168], %swap3A_171 {strides = array<i32>} : memref<98x1x1024xf32, #tpu.memory_space<vmem>>, vector<1x1x1024xf32>,
      %get3A_172 = arith.constant 0 : index
      %get3A_173 = arith.constant 16384 : index
      %get3A_174 = vector.load %arg4[%get3A_172, %get3A_173] : memref<1x100000xf32, #tpu.memory_space<vmem>>, vector<1x1024xf32>
      %swap3A_175 = arith.constant 16 : index
      %swap3A_176 = arith.constant 0 : index
      %swap3A_177 = arith.constant 0 : index
      %swap3A_178 = vector.load %arg6[%swap3A_175, %swap3A_176, %swap3A_177] : memref<98x1x1024xf32, #tpu.memory_space<vmem>>, vector<1x1x1024xf32>
      %swap3A_179 = vector.shape_cast %swap3A_178 : vector<1x1x1024xf32> to vector<1x1024xf32>
      %swap3A_180 = vector.shape_cast %get3A_174 : vector<1x1024xf32> to vector<1x1x1024xf32>
      tpu.vector_store %arg6[%swap3A_175, %swap3A_176, %swap3A_177], %swap3A_180 {strides = array<i32>} : memref<98x1x1024xf32, #tpu.memory_space<vmem>>, vector<1x1x1024xf32>,
      %get3A_181 = arith.constant 0 : index
      %get3A_182 = arith.constant 17408 : index
      %get3A_183 = vector.load %arg4[%get3A_181, %get3A_182] : memref<1x100000xf32, #tpu.memory_space<vmem>>, vector<1x1024xf32>
      %swap3A_184 = arith.constant 17 : index
      %swap3A_185 = arith.constant 0 : index
      %swap3A_186 = arith.constant 0 : index
      %swap3A_187 = vector.load %arg6[%swap3A_184, %swap3A_185, %swap3A_186] : memref<98x1x1024xf32, #tpu.memory_space<vmem>>, vector<1x1x1024xf32>
      %swap3A_188 = vector.shape_cast %swap3A_187 : vector<1x1x1024xf32> to vector<1x1024xf32>
      %swap3A_189 = vector.shape_cast %get3A_183 : vector<1x1024xf32> to vector<1x1x1024xf32>
      tpu.vector_store %arg6[%swap3A_184, %swap3A_185, %swap3A_186], %swap3A_189 {strides = array<i32>} : memref<98x1x1024xf32, #tpu.memory_space<vmem>>, vector<1x1x1024xf32>,
      %get3A_190 = arith.constant 0 : index
      %get3A_191 = arith.constant 18432 : index
      %get3A_192 = vector.load %arg4[%get3A_190, %get3A_191] : memref<1x100000xf32, #tpu.memory_space<vmem>>, vector<1x1024xf32>
      %swap3A_193 = arith.constant 18 : index
      %swap3A_194 = arith.constant 0 : index
      %swap3A_195 = arith.constant 0 : index
      %swap3A_196 = vector.load %arg6[%swap3A_193, %swap3A_194, %swap3A_195] : memref<98x1x1024xf32, #tpu.memory_space<vmem>>, vector<1x1x1024xf32>
      %swap3A_197 = vector.shape_cast %swap3A_196 : vector<1x1x1024xf32> to vector<1x1024xf32>
      %swap3A_198 = vector.shape_cast %get3A_192 : vector<1x1024xf32> to vector<1x1x1024xf32>
      tpu.vector_store %arg6[%swap3A_193, %swap3A_194, %swap3A_195], %swap3A_198 {strides = array<i32>} : memref<98x1x1024xf32, #tpu.memory_space<vmem>>, vector<1x1x1024xf32>,
      %get3A_199 = arith.constant 0 : index
      %get3A_200 = arith.constant 19456 : index
      %get3A_201 = vector.load %arg4[%get3A_199, %get3A_200] : memref<1x100000xf32, #tpu.memory_space<vmem>>, vector<1x1024xf32>
      %swap3A_202 = arith.constant 19 : index
      %swap3A_203 = arith.constant 0 : index
      %swap3A_204 = arith.constant 0 : index
      %swap3A_205 = vector.load %arg6[%swap3A_202, %swap3A_203, %swap3A_204] : memref<98x1x1024xf32, #tpu.memory_space<vmem>>, vector<1x1x1024xf32>
      %swap3A_206 = vector.shape_cast %swap3A_205 : vector<1x1x1024xf32> to vector<1x1024xf32>
      %swap3A_207 = vector.shape_cast %get3A_201 : vector<1x1024xf32> to vector<1x1x1024xf32>
      tpu.vector_store %arg6[%swap3A_202, %swap3A_203, %swap3A_204], %swap3A_207 {strides = array<i32>} : memref<98x1x1024xf32, #tpu.memory_space<vmem>>, vector<1x1x1024xf32>,
      %get3A_208 = arith.constant 0 : index
      %get3A_209 = arith.constant 20480 : index
      %get3A_210 = vector.load %arg4[%get3A_208, %get3A_209] : memref<1x100000xf32, #tpu.memory_space<vmem>>, vector<1x1024xf32>
      %swap3A_211 = arith.constant 20 : index
      %swap3A_212 = arith.constant 0 : index
      %swap3A_213 = arith.constant 0 : index
      %swap3A_214 = vector.load %arg6[%swap3A_211, %swap3A_212, %swap3A_213] : memref<98x1x1024xf32, #tpu.memory_space<vmem>>, vector<1x1x1024xf32>
      %swap3A_215 = vector.shape_cast %swap3A_214 : vector<1x1x1024xf32> to vector<1x1024xf32>
      %swap3A_216 = vector.shape_cast %get3A_210 : vector<1x1024xf32> to vector<1x1x1024xf32>
      tpu.vector_store %arg6[%swap3A_211, %swap3A_212, %swap3A_213], %swap3A_216 {strides = array<i32>} : memref<98x1x1024xf32, #tpu.memory_space<vmem>>, vector<1x1x1024xf32>,
      %get3A_217 = arith.constant 0 : index
      %get3A_218 = arith.constant 21504 : index
      %get3A_219 = vector.load %arg4[%get3A_217, %get3A_218] : memref<1x100000xf32, #tpu.memory_space<vmem>>, vector<1x1024xf32>
      %swap3A_220 = arith.constant 21 : index
      %swap3A_221 = arith.constant 0 : index
      %swap3A_222 = arith.constant 0 : index
      %swap3A_223 = vector.load %arg6[%swap3A_220, %swap3A_221, %swap3A_222] : memref<98x1x1024xf32, #tpu.memory_space<vmem>>, vector<1x1x1024xf32>
      %swap3A_224 = vector.shape_cast %swap3A_223 : vector<1x1x1024xf32> to vector<1x1024xf32>
      %swap3A_225 = vector.shape_cast %get3A_219 : vector<1x1024xf32> to vector<1x1x1024xf32>
      tpu.vector_store %arg6[%swap3A_220, %swap3A_221, %swap3A_222], %swap3A_225 {strides = array<i32>} : memref<98x1x1024xf32, #tpu.memory_space<vmem>>, vector<1x1x1024xf32>,
      %get3A_226 = arith.constant 0 : index
      %get3A_227 = arith.constant 22528 : index
      %get3A_228 = vector.load %arg4[%get3A_226, %get3A_227] : memref<1x100000xf32, #tpu.memory_space<vmem>>, vector<1x1024xf32>
      %swap3A_229 = arith.constant 22 : index
      %swap3A_230 = arith.constant 0 : index
      %swap3A_231 = arith.constant 0 : index
      %swap3A_232 = vector.load %arg6[%swap3A_229, %swap3A_230, %swap3A_231] : memref<98x1x1024xf32, #tpu.memory_space<vmem>>, vector<1x1x1024xf32>
      %swap3A_233 = vector.shape_cast %swap3A_232 : vector<1x1x1024xf32> to vector<1x1024xf32>
      %swap3A_234 = vector.shape_cast %get3A_228 : vector<1x1024xf32> to vector<1x1x1024xf32>
      tpu.vector_store %arg6[%swap3A_229, %swap3A_230, %swap3A_231], %swap3A_234 {strides = array<i32>} : memref<98x1x1024xf32, #tpu.memory_space<vmem>>, vector<1x1x1024xf32>,
      %get3A_235 = arith.constant 0 : index
      %get3A_236 = arith.constant 23552 : index
      %get3A_237 = vector.load %arg4[%get3A_235, %get3A_236] : memref<1x100000xf32, #tpu.memory_space<vmem>>, vector<1x1024xf32>
      %swap3A_238 = arith.constant 23 : index
      %swap3A_239 = arith.constant 0 : index
      %swap3A_240 = arith.constant 0 : index
      %swap3A_241 = vector.load %arg6[%swap3A_238, %swap3A_239, %swap3A_240] : memref<98x1x1024xf32, #tpu.memory_space<vmem>>, vector<1x1x1024xf32>
      %swap3A_242 = vector.shape_cast %swap3A_241 : vector<1x1x1024xf32> to vector<1x1024xf32>
      %swap3A_243 = vector.shape_cast %get3A_237 : vector<1x1024xf32> to vector<1x1x1024xf32>
      tpu.vector_store %arg6[%swap3A_238, %swap3A_239, %swap3A_240], %swap3A_243 {strides = array<i32>} : memref<98x1x1024xf32, #tpu.memory_space<vmem>>, vector<1x1x1024xf32>,
      %get3A_244 = arith.constant 0 : index
      %get3A_245 = arith.constant 24576 : index
      %get3A_246 = vector.load %arg4[%get3A_244, %get3A_245] : memref<1x100000xf32, #tpu.memory_space<vmem>>, vector<1x1024xf32>
      %swap3A_247 = arith.constant 24 : index
      %swap3A_248 = arith.constant 0 : index
      %swap3A_249 = arith.constant 0 : index
      %swap3A_250 = vector.load %arg6[%swap3A_247, %swap3A_248, %swap3A_249] : memref<98x1x1024xf32, #tpu.memory_space<vmem>>, vector<1x1x1024xf32>
      %swap3A_251 = vector.shape_cast %swap3A_250 : vector<1x1x1024xf32> to vector<1x1024xf32>
      %swap3A_252 = vector.shape_cast %get3A_246 : vector<1x1024xf32> to vector<1x1x1024xf32>
      tpu.vector_store %arg6[%swap3A_247, %swap3A_248, %swap3A_249], %swap3A_252 {strides = array<i32>} : memref<98x1x1024xf32, #tpu.memory_space<vmem>>, vector<1x1x1024xf32>,
      %get3A_253 = arith.constant 0 : index
      %get3A_254 = arith.constant 25600 : index
      %get3A_255 = vector.load %arg4[%get3A_253, %get3A_254] : memref<1x100000xf32, #tpu.memory_space<vmem>>, vector<1x1024xf32>
      %swap3A_256 = arith.constant 25 : index
      %swap3A_257 = arith.constant 0 : index
      %swap3A_258 = arith.constant 0 : index
      %swap3A_259 = vector.load %arg6[%swap3A_256, %swap3A_257, %swap3A_258] : memref<98x1x1024xf32, #tpu.memory_space<vmem>>, vector<1x1x1024xf32>
      %swap3A_260 = vector.shape_cast %swap3A_259 : vector<1x1x1024xf32> to vector<1x1024xf32>
      %swap3A_261 = vector.shape_cast %get3A_255 : vector<1x1024xf32> to vector<1x1x1024xf32>
      tpu.vector_store %arg6[%swap3A_256, %swap3A_257, %swap3A_258], %swap3A_261 {strides = array<i32>} : memref<98x1x1024xf32, #tpu.memory_space<vmem>>, vector<1x1x1024xf32>,
      %get3A_262 = arith.constant 0 : index
      %get3A_263 = arith.constant 26624 : index
      %get3A_264 = vector.load %arg4[%get3A_262, %get3A_263] : memref<1x100000xf32, #tpu.memory_space<vmem>>, vector<1x1024xf32>
      %swap3A_265 = arith.constant 26 : index
      %swap3A_266 = arith.constant 0 : index
      %swap3A_267 = arith.constant 0 : index
      %swap3A_268 = vector.load %arg6[%swap3A_265, %swap3A_266, %swap3A_267] : memref<98x1x1024xf32, #tpu.memory_space<vmem>>, vector<1x1x1024xf32>
      %swap3A_269 = vector.shape_cast %swap3A_268 : vector<1x1x1024xf32> to vector<1x1024xf32>
      %swap3A_270 = vector.shape_cast %get3A_264 : vector<1x1024xf32> to vector<1x1x1024xf32>
      tpu.vector_store %arg6[%swap3A_265, %swap3A_266, %swap3A_267], %swap3A_270 {strides = array<i32>} : memref<98x1x1024xf32, #tpu.memory_space<vmem>>, vector<1x1x1024xf32>,
      %get3A_271 = arith.constant 0 : index
      %get3A_272 = arith.constant 27648 : index
      %get3A_273 = vector.load %arg4[%get3A_271, %get3A_272] : memref<1x100000xf32, #tpu.memory_space<vmem>>, vector<1x1024xf32>
      %swap3A_274 = arith.constant 27 : index
      %swap3A_275 = arith.constant 0 : index
      %swap3A_276 = arith.constant 0 : index
      %swap3A_277 = vector.load %arg6[%swap3A_274, %swap3A_275, %swap3A_276] : memref<98x1x1024xf32, #tpu.memory_space<vmem>>, vector<1x1x1024xf32>
      %swap3A_278 = vector.shape_cast %swap3A_277 : vector<1x1x1024xf32> to vector<1x1024xf32>
      %swap3A_279 = vector.shape_cast %get3A_273 : vector<1x1024xf32> to vector<1x1x1024xf32>
      tpu.vector_store %arg6[%swap3A_274, %swap3A_275, %swap3A_276], %swap3A_279 {strides = array<i32>} : memref<98x1x1024xf32, #tpu.memory_space<vmem>>, vector<1x1x1024xf32>,
      %get3A_280 = arith.constant 0 : index
      %get3A_281 = arith.constant 28672 : index
      %get3A_282 = vector.load %arg4[%get3A_280, %get3A_281] : memref<1x100000xf32, #tpu.memory_space<vmem>>, vector<1x1024xf32>
      %swap3A_283 = arith.constant 28 : index
      %swap3A_284 = arith.constant 0 : index
      %swap3A_285 = arith.constant 0 : index
      %swap3A_286 = vector.load %arg6[%swap3A_283, %swap3A_284, %swap3A_285] : memref<98x1x1024xf32, #tpu.memory_space<vmem>>, vector<1x1x1024xf32>
      %swap3A_287 = vector.shape_cast %swap3A_286 : vector<1x1x1024xf32> to vector<1x1024xf32>
      %swap3A_288 = vector.shape_cast %get3A_282 : vector<1x1024xf32> to vector<1x1x1024xf32>
      tpu.vector_store %arg6[%swap3A_283, %swap3A_284, %swap3A_285], %swap3A_288 {strides = array<i32>} : memref<98x1x1024xf32, #tpu.memory_space<vmem>>, vector<1x1x1024xf32>,
      %get3A_289 = arith.constant 0 : index
      %get3A_290 = arith.constant 29696 : index
      %get3A_291 = vector.load %arg4[%get3A_289, %get3A_290] : memref<1x100000xf32, #tpu.memory_space<vmem>>, vector<1x1024xf32>
      %swap3A_292 = arith.constant 29 : index
      %swap3A_293 = arith.constant 0 : index
      %swap3A_294 = arith.constant 0 : index
      %swap3A_295 = vector.load %arg6[%swap3A_292, %swap3A_293, %swap3A_294] : memref<98x1x1024xf32, #tpu.memory_space<vmem>>, vector<1x1x1024xf32>
      %swap3A_296 = vector.shape_cast %swap3A_295 : vector<1x1x1024xf32> to vector<1x1024xf32>
      %swap3A_297 = vector.shape_cast %get3A_291 : vector<1x1024xf32> to vector<1x1x1024xf32>
      tpu.vector_store %arg6[%swap3A_292, %swap3A_293, %swap3A_294], %swap3A_297 {strides = array<i32>} : memref<98x1x1024xf32, #tpu.memory_space<vmem>>, vector<1x1x1024xf32>,
      %get3A_298 = arith.constant 0 : index
      %get3A_299 = arith.constant 30720 : index
      %get3A_300 = vector.load %arg4[%get3A_298, %get3A_299] : memref<1x100000xf32, #tpu.memory_space<vmem>>, vector<1x1024xf32>
      %swap3A_301 = arith.constant 30 : index
      %swap3A_302 = arith.constant 0 : index
      %swap3A_303 = arith.constant 0 : index
      %swap3A_304 = vector.load %arg6[%swap3A_301, %swap3A_302, %swap3A_303] : memref<98x1x1024xf32, #tpu.memory_space<vmem>>, vector<1x1x1024xf32>
      %swap3A_305 = vector.shape_cast %swap3A_304 : vector<1x1x1024xf32> to vector<1x1024xf32>
      %swap3A_306 = vector.shape_cast %get3A_300 : vector<1x1024xf32> to vector<1x1x1024xf32>
      tpu.vector_store %arg6[%swap3A_301, %swap3A_302, %swap3A_303], %swap3A_306 {strides = array<i32>} : memref<98x1x1024xf32, #tpu.memory_space<vmem>>, vector<1x1x1024xf32>,
      %get3A_307 = arith.constant 0 : index
      %get3A_308 = arith.constant 31744 : index
      %get3A_309 = vector.load %arg4[%get3A_307, %get3A_308] : memref<1x100000xf32, #tpu.memory_space<vmem>>, vector<1x1024xf32>
      %swap3A_310 = arith.constant 31 : index
      %swap3A_311 = arith.constant 0 : index
      %swap3A_312 = arith.constant 0 : index
      %swap3A_313 = vector.load %arg6[%swap3A_310, %swap3A_311, %swap3A_312] : memref<98x1x1024xf32, #tpu.memory_space<vmem>>, vector<1x1x1024xf32>
      %swap3A_314 = vector.shape_cast %swap3A_313 : vector<1x1x1024xf32> to vector<1x1024xf32>
      %swap3A_315 = vector.shape_cast %get3A_309 : vector<1x1024xf32> to vector<1x1x1024xf32>
      tpu.vector_store %arg6[%swap3A_310, %swap3A_311, %swap3A_312], %swap3A_315 {strides = array<i32>} : memref<98x1x1024xf32, #tpu.memory_space<vmem>>, vector<1x1x1024xf32>,
      %get3A_316 = arith.constant 0 : index
      %get3A_317 = arith.constant 32768 : index
      %get3A_318 = vector.load %arg4[%get3A_316, %get3A_317] : memref<1x100000xf32, #tpu.memory_space<vmem>>, vector<1x1024xf32>
      %swap3A_319 = arith.constant 32 : index
      %swap3A_320 = arith.constant 0 : index
      %swap3A_321 = arith.constant 0 : index
      %swap3A_322 = vector.load %arg6[%swap3A_319, %swap3A_320, %swap3A_321] : memref<98x1x1024xf32, #tpu.memory_space<vmem>>, vector<1x1x1024xf32>
      %swap3A_323 = vector.shape_cast %swap3A_322 : vector<1x1x1024xf32> to vector<1x1024xf32>
      %swap3A_324 = vector.shape_cast %get3A_318 : vector<1x1024xf32> to vector<1x1x1024xf32>
      tpu.vector_store %arg6[%swap3A_319, %swap3A_320, %swap3A_321], %swap3A_324 {strides = array<i32>} : memref<98x1x1024xf32, #tpu.memory_space<vmem>>, vector<1x1x1024xf32>,
      %get3A_325 = arith.constant 0 : index
      %get3A_326 = arith.constant 33792 : index
      %get3A_327 = vector.load %arg4[%get3A_325, %get3A_326] : memref<1x100000xf32, #tpu.memory_space<vmem>>, vector<1x1024xf32>
      %swap3A_328 = arith.constant 33 : index
      %swap3A_329 = arith.constant 0 : index
      %swap3A_330 = arith.constant 0 : index
      %swap3A_331 = vector.load %arg6[%swap3A_328, %swap3A_329, %swap3A_330] : memref<98x1x1024xf32, #tpu.memory_space<vmem>>, vector<1x1x1024xf32>
      %swap3A_332 = vector.shape_cast %swap3A_331 : vector<1x1x1024xf32> to vector<1x1024xf32>
      %swap3A_333 = vector.shape_cast %get3A_327 : vector<1x1024xf32> to vector<1x1x1024xf32>
      tpu.vector_store %arg6[%swap3A_328, %swap3A_329, %swap3A_330], %swap3A_333 {strides = array<i32>} : memref<98x1x1024xf32, #tpu.memory_space<vmem>>, vector<1x1x1024xf32>,
      %get3A_334 = arith.constant 0 : index
      %get3A_335 = arith.constant 34816 : index
      %get3A_336 = vector.load %arg4[%get3A_334, %get3A_335] : memref<1x100000xf32, #tpu.memory_space<vmem>>, vector<1x1024xf32>
      %swap3A_337 = arith.constant 34 : index
      %swap3A_338 = arith.constant 0 : index
      %swap3A_339 = arith.constant 0 : index
      %swap3A_340 = vector.load %arg6[%swap3A_337, %swap3A_338, %swap3A_339] : memref<98x1x1024xf32, #tpu.memory_space<vmem>>, vector<1x1x1024xf32>
      %swap3A_341 = vector.shape_cast %swap3A_340 : vector<1x1x1024xf32> to vector<1x1024xf32>
      %swap3A_342 = vector.shape_cast %get3A_336 : vector<1x1024xf32> to vector<1x1x1024xf32>
      tpu.vector_store %arg6[%swap3A_337, %swap3A_338, %swap3A_339], %swap3A_342 {strides = array<i32>} : memref<98x1x1024xf32, #tpu.memory_space<vmem>>, vector<1x1x1024xf32>,
      %get3A_343 = arith.constant 0 : index
      %get3A_344 = arith.constant 35840 : index
      %get3A_345 = vector.load %arg4[%get3A_343, %get3A_344] : memref<1x100000xf32, #tpu.memory_space<vmem>>, vector<1x1024xf32>
      %swap3A_346 = arith.constant 35 : index
      %swap3A_347 = arith.constant 0 : index
      %swap3A_348 = arith.constant 0 : index
      %swap3A_349 = vector.load %arg6[%swap3A_346, %swap3A_347, %swap3A_348] : memref<98x1x1024xf32, #tpu.memory_space<vmem>>, vector<1x1x1024xf32>
      %swap3A_350 = vector.shape_cast %swap3A_349 : vector<1x1x1024xf32> to vector<1x1024xf32>
      %swap3A_351 = vector.shape_cast %get3A_345 : vector<1x1024xf32> to vector<1x1x1024xf32>
      tpu.vector_store %arg6[%swap3A_346, %swap3A_347, %swap3A_348], %swap3A_351 {strides = array<i32>} : memref<98x1x1024xf32, #tpu.memory_space<vmem>>, vector<1x1x1024xf32>,
      %get3A_352 = arith.constant 0 : index
      %get3A_353 = arith.constant 36864 : index
      %get3A_354 = vector.load %arg4[%get3A_352, %get3A_353] : memref<1x100000xf32, #tpu.memory_space<vmem>>, vector<1x1024xf32>
      %swap3A_355 = arith.constant 36 : index
      %swap3A_356 = arith.constant 0 : index
      %swap3A_357 = arith.constant 0 : index
      %swap3A_358 = vector.load %arg6[%swap3A_355, %swap3A_356, %swap3A_357] : memref<98x1x1024xf32, #tpu.memory_space<vmem>>, vector<1x1x1024xf32>
      %swap3A_359 = vector.shape_cast %swap3A_358 : vector<1x1x1024xf32> to vector<1x1024xf32>
      %swap3A_360 = vector.shape_cast %get3A_354 : vector<1x1024xf32> to vector<1x1x1024xf32>
      tpu.vector_store %arg6[%swap3A_355, %swap3A_356, %swap3A_357], %swap3A_360 {strides = array<i32>} : memref<98x1x1024xf32, #tpu.memory_space<vmem>>, vector<1x1x1024xf32>,
      %get3A_361 = arith.constant 0 : index
      %get3A_362 = arith.constant 37888 : index
      %get3A_363 = vector.load %arg4[%get3A_361, %get3A_362] : memref<1x100000xf32, #tpu.memory_space<vmem>>, vector<1x1024xf32>
      %swap3A_364 = arith.constant 37 : index
      %swap3A_365 = arith.constant 0 : index
      %swap3A_366 = arith.constant 0 : index
      %swap3A_367 = vector.load %arg6[%swap3A_364, %swap3A_365, %swap3A_366] : memref<98x1x1024xf32, #tpu.memory_space<vmem>>, vector<1x1x1024xf32>
      %swap3A_368 = vector.shape_cast %swap3A_367 : vector<1x1x1024xf32> to vector<1x1024xf32>
      %swap3A_369 = vector.shape_cast %get3A_363 : vector<1x1024xf32> to vector<1x1x1024xf32>
      tpu.vector_store %arg6[%swap3A_364, %swap3A_365, %swap3A_366], %swap3A_369 {strides = array<i32>} : memref<98x1x1024xf32, #tpu.memory_space<vmem>>, vector<1x1x1024xf32>,
      %get3A_370 = arith.constant 0 : index
      %get3A_371 = arith.constant 38912 : index
      %get3A_372 = vector.load %arg4[%get3A_370, %get3A_371] : memref<1x100000xf32, #tpu.memory_space<vmem>>, vector<1x1024xf32>
      %swap3A_373 = arith.constant 38 : index
      %swap3A_374 = arith.constant 0 : index
      %swap3A_375 = arith.constant 0 : index
      %swap3A_376 = vector.load %arg6[%swap3A_373, %swap3A_374, %swap3A_375] : memref<98x1x1024xf32, #tpu.memory_space<vmem>>, vector<1x1x1024xf32>
      %swap3A_377 = vector.shape_cast %swap3A_376 : vector<1x1x1024xf32> to vector<1x1024xf32>
      %swap3A_378 = vector.shape_cast %get3A_372 : vector<1x1024xf32> to vector<1x1x1024xf32>
      tpu.vector_store %arg6[%swap3A_373, %swap3A_374, %swap3A_375], %swap3A_378 {strides = array<i32>} : memref<98x1x1024xf32, #tpu.memory_space<vmem>>, vector<1x1x1024xf32>,
      %get3A_379 = arith.constant 0 : index
      %get3A_380 = arith.constant 39936 : index
      %get3A_381 = vector.load %arg4[%get3A_379, %get3A_380] : memref<1x100000xf32, #tpu.memory_space<vmem>>, vector<1x1024xf32>
      %swap3A_382 = arith.constant 39 : index
      %swap3A_383 = arith.constant 0 : index
      %swap3A_384 = arith.constant 0 : index
      %swap3A_385 = vector.load %arg6[%swap3A_382, %swap3A_383, %swap3A_384] : memref<98x1x1024xf32, #tpu.memory_space<vmem>>, vector<1x1x1024xf32>
      %swap3A_386 = vector.shape_cast %swap3A_385 : vector<1x1x1024xf32> to vector<1x1024xf32>
      %swap3A_387 = vector.shape_cast %get3A_381 : vector<1x1024xf32> to vector<1x1x1024xf32>
      tpu.vector_store %arg6[%swap3A_382, %swap3A_383, %swap3A_384], %swap3A_387 {strides = array<i32>} : memref<98x1x1024xf32, #tpu.memory_space<vmem>>, vector<1x1x1024xf32>,
      %get3A_388 = arith.constant 0 : index
      %get3A_389 = arith.constant 40960 : index
      %get3A_390 = vector.load %arg4[%get3A_388, %get3A_389] : memref<1x100000xf32, #tpu.memory_space<vmem>>, vector<1x1024xf32>
      %swap3A_391 = arith.constant 40 : index
      %swap3A_392 = arith.constant 0 : index
      %swap3A_393 = arith.constant 0 : index
      %swap3A_394 = vector.load %arg6[%swap3A_391, %swap3A_392, %swap3A_393] : memref<98x1x1024xf32, #tpu.memory_space<vmem>>, vector<1x1x1024xf32>
      %swap3A_395 = vector.shape_cast %swap3A_394 : vector<1x1x1024xf32> to vector<1x1024xf32>
      %swap3A_396 = vector.shape_cast %get3A_390 : vector<1x1024xf32> to vector<1x1x1024xf32>
      tpu.vector_store %arg6[%swap3A_391, %swap3A_392, %swap3A_393], %swap3A_396 {strides = array<i32>} : memref<98x1x1024xf32, #tpu.memory_space<vmem>>, vector<1x1x1024xf32>,
      %get3A_397 = arith.constant 0 : index
      %get3A_398 = arith.constant 41984 : index
      %get3A_399 = vector.load %arg4[%get3A_397, %get3A_398] : memref<1x100000xf32, #tpu.memory_space<vmem>>, vector<1x1024xf32>
      %swap3A_400 = arith.constant 41 : index
      %swap3A_401 = arith.constant 0 : index
      %swap3A_402 = arith.constant 0 : index
      %swap3A_403 = vector.load %arg6[%swap3A_400, %swap3A_401, %swap3A_402] : memref<98x1x1024xf32, #tpu.memory_space<vmem>>, vector<1x1x1024xf32>
      %swap3A_404 = vector.shape_cast %swap3A_403 : vector<1x1x1024xf32> to vector<1x1024xf32>
      %swap3A_405 = vector.shape_cast %get3A_399 : vector<1x1024xf32> to vector<1x1x1024xf32>
      tpu.vector_store %arg6[%swap3A_400, %swap3A_401, %swap3A_402], %swap3A_405 {strides = array<i32>} : memref<98x1x1024xf32, #tpu.memory_space<vmem>>, vector<1x1x1024xf32>,
      %get3A_406 = arith.constant 0 : index
      %get3A_407 = arith.constant 43008 : index
      %get3A_408 = vector.load %arg4[%get3A_406, %get3A_407] : memref<1x100000xf32, #tpu.memory_space<vmem>>, vector<1x1024xf32>
      %swap3A_409 = arith.constant 42 : index
      %swap3A_410 = arith.constant 0 : index
      %swap3A_411 = arith.constant 0 : index
      %swap3A_412 = vector.load %arg6[%swap3A_409, %swap3A_410, %swap3A_411] : memref<98x1x1024xf32, #tpu.memory_space<vmem>>, vector<1x1x1024xf32>
      %swap3A_413 = vector.shape_cast %swap3A_412 : vector<1x1x1024xf32> to vector<1x1024xf32>
      %swap3A_414 = vector.shape_cast %get3A_408 : vector<1x1024xf32> to vector<1x1x1024xf32>
      tpu.vector_store %arg6[%swap3A_409, %swap3A_410, %swap3A_411], %swap3A_414 {strides = array<i32>} : memref<98x1x1024xf32, #tpu.memory_space<vmem>>, vector<1x1x1024xf32>,
      %get3A_415 = arith.constant 0 : index
      %get3A_416 = arith.constant 44032 : index
      %get3A_417 = vector.load %arg4[%get3A_415, %get3A_416] : memref<1x100000xf32, #tpu.memory_space<vmem>>, vector<1x1024xf32>
      %swap3A_418 = arith.constant 43 : index
      %swap3A_419 = arith.constant 0 : index
      %swap3A_420 = arith.constant 0 : index
      %swap3A_421 = vector.load %arg6[%swap3A_418, %swap3A_419, %swap3A_420] : memref<98x1x1024xf32, #tpu.memory_space<vmem>>, vector<1x1x1024xf32>
      %swap3A_422 = vector.shape_cast %swap3A_421 : vector<1x1x1024xf32> to vector<1x1024xf32>
      %swap3A_423 = vector.shape_cast %get3A_417 : vector<1x1024xf32> to vector<1x1x1024xf32>
      tpu.vector_store %arg6[%swap3A_418, %swap3A_419, %swap3A_420], %swap3A_423 {strides = array<i32>} : memref<98x1x1024xf32, #tpu.memory_space<vmem>>, vector<1x1x1024xf32>,
      %get3A_424 = arith.constant 0 : index
      %get3A_425 = arith.constant 45056 : index
      %get3A_426 = vector.load %arg4[%get3A_424, %get3A_425] : memref<1x100000xf32, #tpu.memory_space<vmem>>, vector<1x1024xf32>
      %swap3A_427 = arith.constant 44 : index
      %swap3A_428 = arith.constant 0 : index
      %swap3A_429 = arith.constant 0 : index
      %swap3A_430 = vector.load %arg6[%swap3A_427, %swap3A_428, %swap3A_429] : memref<98x1x1024xf32, #tpu.memory_space<vmem>>, vector<1x1x1024xf32>
      %swap3A_431 = vector.shape_cast %swap3A_430 : vector<1x1x1024xf32> to vector<1x1024xf32>
      %swap3A_432 = vector.shape_cast %get3A_426 : vector<1x1024xf32> to vector<1x1x1024xf32>
      tpu.vector_store %arg6[%swap3A_427, %swap3A_428, %swap3A_429], %swap3A_432 {strides = array<i32>} : memref<98x1x1024xf32, #tpu.memory_space<vmem>>, vector<1x1x1024xf32>,
      %get3A_433 = arith.constant 0 : index
      %get3A_434 = arith.constant 46080 : index
      %get3A_435 = vector.load %arg4[%get3A_433, %get3A_434] : memref<1x100000xf32, #tpu.memory_space<vmem>>, vector<1x1024xf32>
      %swap3A_436 = arith.constant 45 : index
      %swap3A_437 = arith.constant 0 : index
      %swap3A_438 = arith.constant 0 : index
      %swap3A_439 = vector.load %arg6[%swap3A_436, %swap3A_437, %swap3A_438] : memref<98x1x1024xf32, #tpu.memory_space<vmem>>, vector<1x1x1024xf32>
      %swap3A_440 = vector.shape_cast %swap3A_439 : vector<1x1x1024xf32> to vector<1x1024xf32>
      %swap3A_441 = vector.shape_cast %get3A_435 : vector<1x1024xf32> to vector<1x1x1024xf32>
      tpu.vector_store %arg6[%swap3A_436, %swap3A_437, %swap3A_438], %swap3A_441 {strides = array<i32>} : memref<98x1x1024xf32, #tpu.memory_space<vmem>>, vector<1x1x1024xf32>,
      %get3A_442 = arith.constant 0 : index
      %get3A_443 = arith.constant 47104 : index
      %get3A_444 = vector.load %arg4[%get3A_442, %get3A_443] : memref<1x100000xf32, #tpu.memory_space<vmem>>, vector<1x1024xf32>
      %swap3A_445 = arith.constant 46 : index
      %swap3A_446 = arith.constant 0 : index
      %swap3A_447 = arith.constant 0 : index
      %swap3A_448 = vector.load %arg6[%swap3A_445, %swap3A_446, %swap3A_447] : memref<98x1x1024xf32, #tpu.memory_space<vmem>>, vector<1x1x1024xf32>
      %swap3A_449 = vector.shape_cast %swap3A_448 : vector<1x1x1024xf32> to vector<1x1024xf32>
      %swap3A_450 = vector.shape_cast %get3A_444 : vector<1x1024xf32> to vector<1x1x1024xf32>
      tpu.vector_store %arg6[%swap3A_445, %swap3A_446, %swap3A_447], %swap3A_450 {strides = array<i32>} : memref<98x1x1024xf32, #tpu.memory_space<vmem>>, vector<1x1x1024xf32>,
      %get3A_451 = arith.constant 0 : index
      %get3A_452 = arith.constant 48128 : index
      %get3A_453 = vector.load %arg4[%get3A_451, %get3A_452] : memref<1x100000xf32, #tpu.memory_space<vmem>>, vector<1x1024xf32>
      %swap3A_454 = arith.constant 47 : index
      %swap3A_455 = arith.constant 0 : index
      %swap3A_456 = arith.constant 0 : index
      %swap3A_457 = vector.load %arg6[%swap3A_454, %swap3A_455, %swap3A_456] : memref<98x1x1024xf32, #tpu.memory_space<vmem>>, vector<1x1x1024xf32>
      %swap3A_458 = vector.shape_cast %swap3A_457 : vector<1x1x1024xf32> to vector<1x1024xf32>
      %swap3A_459 = vector.shape_cast %get3A_453 : vector<1x1024xf32> to vector<1x1x1024xf32>
      tpu.vector_store %arg6[%swap3A_454, %swap3A_455, %swap3A_456], %swap3A_459 {strides = array<i32>} : memref<98x1x1024xf32, #tpu.memory_space<vmem>>, vector<1x1x1024xf32>,
      %get3A_460 = arith.constant 0 : index
      %get3A_461 = arith.constant 49152 : index
      %get3A_462 = vector.load %arg4[%get3A_460, %get3A_461] : memref<1x100000xf32, #tpu.memory_space<vmem>>, vector<1x1024xf32>
      %swap3A_463 = arith.constant 48 : index
      %swap3A_464 = arith.constant 0 : index
      %swap3A_465 = arith.constant 0 : index
      %swap3A_466 = vector.load %arg6[%swap3A_463, %swap3A_464, %swap3A_465] : memref<98x1x1024xf32, #tpu.memory_space<vmem>>, vector<1x1x1024xf32>
      %swap3A_467 = vector.shape_cast %swap3A_466 : vector<1x1x1024xf32> to vector<1x1024xf32>
      %swap3A_468 = vector.shape_cast %get3A_462 : vector<1x1024xf32> to vector<1x1x1024xf32>
      tpu.vector_store %arg6[%swap3A_463, %swap3A_464, %swap3A_465], %swap3A_468 {strides = array<i32>} : memref<98x1x1024xf32, #tpu.memory_space<vmem>>, vector<1x1x1024xf32>,
      %get3A_469 = arith.constant 0 : index
      %get3A_470 = arith.constant 50176 : index
      %get3A_471 = vector.load %arg4[%get3A_469, %get3A_470] : memref<1x100000xf32, #tpu.memory_space<vmem>>, vector<1x1024xf32>
      %swap3A_472 = arith.constant 49 : index
      %swap3A_473 = arith.constant 0 : index
      %swap3A_474 = arith.constant 0 : index
      %swap3A_475 = vector.load %arg6[%swap3A_472, %swap3A_473, %swap3A_474] : memref<98x1x1024xf32, #tpu.memory_space<vmem>>, vector<1x1x1024xf32>
      %swap3A_476 = vector.shape_cast %swap3A_475 : vector<1x1x1024xf32> to vector<1x1024xf32>
      %swap3A_477 = vector.shape_cast %get3A_471 : vector<1x1024xf32> to vector<1x1x1024xf32>
      tpu.vector_store %arg6[%swap3A_472, %swap3A_473, %swap3A_474], %swap3A_477 {strides = array<i32>} : memref<98x1x1024xf32, #tpu.memory_space<vmem>>, vector<1x1x1024xf32>,
      %get3A_478 = arith.constant 0 : index
      %get3A_479 = arith.constant 51200 : index
      %get3A_480 = vector.load %arg4[%get3A_478, %get3A_479] : memref<1x100000xf32, #tpu.memory_space<vmem>>, vector<1x1024xf32>
      %swap3A_481 = arith.constant 50 : index
      %swap3A_482 = arith.constant 0 : index
      %swap3A_483 = arith.constant 0 : index
      %swap3A_484 = vector.load %arg6[%swap3A_481, %swap3A_482, %swap3A_483] : memref<98x1x1024xf32, #tpu.memory_space<vmem>>, vector<1x1x1024xf32>
      %swap3A_485 = vector.shape_cast %swap3A_484 : vector<1x1x1024xf32> to vector<1x1024xf32>
      %swap3A_486 = vector.shape_cast %get3A_480 : vector<1x1024xf32> to vector<1x1x1024xf32>
      tpu.vector_store %arg6[%swap3A_481, %swap3A_482, %swap3A_483], %swap3A_486 {strides = array<i32>} : memref<98x1x1024xf32, #tpu.memory_space<vmem>>, vector<1x1x1024xf32>,
      %get3A_487 = arith.constant 0 : index
      %get3A_488 = arith.constant 52224 : index
      %get3A_489 = vector.load %arg4[%get3A_487, %get3A_488] : memref<1x100000xf32, #tpu.memory_space<vmem>>, vector<1x1024xf32>
      %swap3A_490 = arith.constant 51 : index
      %swap3A_491 = arith.constant 0 : index
      %swap3A_492 = arith.constant 0 : index
      %swap3A_493 = vector.load %arg6[%swap3A_490, %swap3A_491, %swap3A_492] : memref<98x1x1024xf32, #tpu.memory_space<vmem>>, vector<1x1x1024xf32>
      %swap3A_494 = vector.shape_cast %swap3A_493 : vector<1x1x1024xf32> to vector<1x1024xf32>
      %swap3A_495 = vector.shape_cast %get3A_489 : vector<1x1024xf32> to vector<1x1x1024xf32>
      tpu.vector_store %arg6[%swap3A_490, %swap3A_491, %swap3A_492], %swap3A_495 {strides = array<i32>} : memref<98x1x1024xf32, #tpu.memory_space<vmem>>, vector<1x1x1024xf32>,
      %get3A_496 = arith.constant 0 : index
      %get3A_497 = arith.constant 53248 : index
      %get3A_498 = vector.load %arg4[%get3A_496, %get3A_497] : memref<1x100000xf32, #tpu.memory_space<vmem>>, vector<1x1024xf32>
      %swap3A_499 = arith.constant 52 : index
      %swap3A_500 = arith.constant 0 : index
      %swap3A_501 = arith.constant 0 : index
      %swap3A_502 = vector.load %arg6[%swap3A_499, %swap3A_500, %swap3A_501] : memref<98x1x1024xf32, #tpu.memory_space<vmem>>, vector<1x1x1024xf32>
      %swap3A_503 = vector.shape_cast %swap3A_502 : vector<1x1x1024xf32> to vector<1x1024xf32>
      %swap3A_504 = vector.shape_cast %get3A_498 : vector<1x1024xf32> to vector<1x1x1024xf32>
      tpu.vector_store %arg6[%swap3A_499, %swap3A_500, %swap3A_501], %swap3A_504 {strides = array<i32>} : memref<98x1x1024xf32, #tpu.memory_space<vmem>>, vector<1x1x1024xf32>,
      %get3A_505 = arith.constant 0 : index
      %get3A_506 = arith.constant 54272 : index
      %get3A_507 = vector.load %arg4[%get3A_505, %get3A_506] : memref<1x100000xf32, #tpu.memory_space<vmem>>, vector<1x1024xf32>
      %swap3A_508 = arith.constant 53 : index
      %swap3A_509 = arith.constant 0 : index
      %swap3A_510 = arith.constant 0 : index
      %swap3A_511 = vector.load %arg6[%swap3A_508, %swap3A_509, %swap3A_510] : memref<98x1x1024xf32, #tpu.memory_space<vmem>>, vector<1x1x1024xf32>
      %swap3A_512 = vector.shape_cast %swap3A_511 : vector<1x1x1024xf32> to vector<1x1024xf32>
      %swap3A_513 = vector.shape_cast %get3A_507 : vector<1x1024xf32> to vector<1x1x1024xf32>
      tpu.vector_store %arg6[%swap3A_508, %swap3A_509, %swap3A_510], %swap3A_513 {strides = array<i32>} : memref<98x1x1024xf32, #tpu.memory_space<vmem>>, vector<1x1x1024xf32>,
      %get3A_514 = arith.constant 0 : index
      %get3A_515 = arith.constant 55296 : index
      %get3A_516 = vector.load %arg4[%get3A_514, %get3A_515] : memref<1x100000xf32, #tpu.memory_space<vmem>>, vector<1x1024xf32>
      %swap3A_517 = arith.constant 54 : index
      %swap3A_518 = arith.constant 0 : index
      %swap3A_519 = arith.constant 0 : index
      %swap3A_520 = vector.load %arg6[%swap3A_517, %swap3A_518, %swap3A_519] : memref<98x1x1024xf32, #tpu.memory_space<vmem>>, vector<1x1x1024xf32>
      %swap3A_521 = vector.shape_cast %swap3A_520 : vector<1x1x1024xf32> to vector<1x1024xf32>
      %swap3A_522 = vector.shape_cast %get3A_516 : vector<1x1024xf32> to vector<1x1x1024xf32>
      tpu.vector_store %arg6[%swap3A_517, %swap3A_518, %swap3A_519], %swap3A_522 {strides = array<i32>} : memref<98x1x1024xf32, #tpu.memory_space<vmem>>, vector<1x1x1024xf32>,
      %get3A_523 = arith.constant 0 : index
      %get3A_524 = arith.constant 56320 : index
      %get3A_525 = vector.load %arg4[%get3A_523, %get3A_524] : memref<1x100000xf32, #tpu.memory_space<vmem>>, vector<1x1024xf32>
      %swap3A_526 = arith.constant 55 : index
      %swap3A_527 = arith.constant 0 : index
      %swap3A_528 = arith.constant 0 : index
      %swap3A_529 = vector.load %arg6[%swap3A_526, %swap3A_527, %swap3A_528] : memref<98x1x1024xf32, #tpu.memory_space<vmem>>, vector<1x1x1024xf32>
      %swap3A_530 = vector.shape_cast %swap3A_529 : vector<1x1x1024xf32> to vector<1x1024xf32>
      %swap3A_531 = vector.shape_cast %get3A_525 : vector<1x1024xf32> to vector<1x1x1024xf32>
      tpu.vector_store %arg6[%swap3A_526, %swap3A_527, %swap3A_528], %swap3A_531 {strides = array<i32>} : memref<98x1x1024xf32, #tpu.memory_space<vmem>>, vector<1x1x1024xf32>,
      %get3A_532 = arith.constant 0 : index
      %get3A_533 = arith.constant 57344 : index
      %get3A_534 = vector.load %arg4[%get3A_532, %get3A_533] : memref<1x100000xf32, #tpu.memory_space<vmem>>, vector<1x1024xf32>
      %swap3A_535 = arith.constant 56 : index
      %swap3A_536 = arith.constant 0 : index
      %swap3A_537 = arith.constant 0 : index
      %swap3A_538 = vector.load %arg6[%swap3A_535, %swap3A_536, %swap3A_537] : memref<98x1x1024xf32, #tpu.memory_space<vmem>>, vector<1x1x1024xf32>
      %swap3A_539 = vector.shape_cast %swap3A_538 : vector<1x1x1024xf32> to vector<1x1024xf32>
      %swap3A_540 = vector.shape_cast %get3A_534 : vector<1x1024xf32> to vector<1x1x1024xf32>
      tpu.vector_store %arg6[%swap3A_535, %swap3A_536, %swap3A_537], %swap3A_540 {strides = array<i32>} : memref<98x1x1024xf32, #tpu.memory_space<vmem>>, vector<1x1x1024xf32>,
      %get3A_541 = arith.constant 0 : index
      %get3A_542 = arith.constant 58368 : index
      %get3A_543 = vector.load %arg4[%get3A_541, %get3A_542] : memref<1x100000xf32, #tpu.memory_space<vmem>>, vector<1x1024xf32>
      %swap3A_544 = arith.constant 57 : index
      %swap3A_545 = arith.constant 0 : index
      %swap3A_546 = arith.constant 0 : index
      %swap3A_547 = vector.load %arg6[%swap3A_544, %swap3A_545, %swap3A_546] : memref<98x1x1024xf32, #tpu.memory_space<vmem>>, vector<1x1x1024xf32>
      %swap3A_548 = vector.shape_cast %swap3A_547 : vector<1x1x1024xf32> to vector<1x1024xf32>
      %swap3A_549 = vector.shape_cast %get3A_543 : vector<1x1024xf32> to vector<1x1x1024xf32>
      tpu.vector_store %arg6[%swap3A_544, %swap3A_545, %swap3A_546], %swap3A_549 {strides = array<i32>} : memref<98x1x1024xf32, #tpu.memory_space<vmem>>, vector<1x1x1024xf32>,
      %get3A_550 = arith.constant 0 : index
      %get3A_551 = arith.constant 59392 : index
      %get3A_552 = vector.load %arg4[%get3A_550, %get3A_551] : memref<1x100000xf32, #tpu.memory_space<vmem>>, vector<1x1024xf32>
      %swap3A_553 = arith.constant 58 : index
      %swap3A_554 = arith.constant 0 : index
      %swap3A_555 = arith.constant 0 : index
      %swap3A_556 = vector.load %arg6[%swap3A_553, %swap3A_554, %swap3A_555] : memref<98x1x1024xf32, #tpu.memory_space<vmem>>, vector<1x1x1024xf32>
      %swap3A_557 = vector.shape_cast %swap3A_556 : vector<1x1x1024xf32> to vector<1x1024xf32>
      %swap3A_558 = vector.shape_cast %get3A_552 : vector<1x1024xf32> to vector<1x1x1024xf32>
      tpu.vector_store %arg6[%swap3A_553, %swap3A_554, %swap3A_555], %swap3A_558 {strides = array<i32>} : memref<98x1x1024xf32, #tpu.memory_space<vmem>>, vector<1x1x1024xf32>,
      %get3A_559 = arith.constant 0 : index
      %get3A_560 = arith.constant 60416 : index
      %get3A_561 = vector.load %arg4[%get3A_559, %get3A_560] : memref<1x100000xf32, #tpu.memory_space<vmem>>, vector<1x1024xf32>
      %swap3A_562 = arith.constant 59 : index
      %swap3A_563 = arith.constant 0 : index
      %swap3A_564 = arith.constant 0 : index
      %swap3A_565 = vector.load %arg6[%swap3A_562, %swap3A_563, %swap3A_564] : memref<98x1x1024xf32, #tpu.memory_space<vmem>>, vector<1x1x1024xf32>
      %swap3A_566 = vector.shape_cast %swap3A_565 : vector<1x1x1024xf32> to vector<1x1024xf32>
      %swap3A_567 = vector.shape_cast %get3A_561 : vector<1x1024xf32> to vector<1x1x1024xf32>
      tpu.vector_store %arg6[%swap3A_562, %swap3A_563, %swap3A_564], %swap3A_567 {strides = array<i32>} : memref<98x1x1024xf32, #tpu.memory_space<vmem>>, vector<1x1x1024xf32>,
      %get3A_568 = arith.constant 0 : index
      %get3A_569 = arith.constant 61440 : index
      %get3A_570 = vector.load %arg4[%get3A_568, %get3A_569] : memref<1x100000xf32, #tpu.memory_space<vmem>>, vector<1x1024xf32>
      %swap3A_571 = arith.constant 60 : index
      %swap3A_572 = arith.constant 0 : index
      %swap3A_573 = arith.constant 0 : index
      %swap3A_574 = vector.load %arg6[%swap3A_571, %swap3A_572, %swap3A_573] : memref<98x1x1024xf32, #tpu.memory_space<vmem>>, vector<1x1x1024xf32>
      %swap3A_575 = vector.shape_cast %swap3A_574 : vector<1x1x1024xf32> to vector<1x1024xf32>
      %swap3A_576 = vector.shape_cast %get3A_570 : vector<1x1024xf32> to vector<1x1x1024xf32>
      tpu.vector_store %arg6[%swap3A_571, %swap3A_572, %swap3A_573], %swap3A_576 {strides = array<i32>} : memref<98x1x1024xf32, #tpu.memory_space<vmem>>, vector<1x1x1024xf32>,
      %get3A_577 = arith.constant 0 : index
      %get3A_578 = arith.constant 62464 : index
      %get3A_579 = vector.load %arg4[%get3A_577, %get3A_578] : memref<1x100000xf32, #tpu.memory_space<vmem>>, vector<1x1024xf32>
      %swap3A_580 = arith.constant 61 : index
      %swap3A_581 = arith.constant 0 : index
      %swap3A_582 = arith.constant 0 : index
      %swap3A_583 = vector.load %arg6[%swap3A_580, %swap3A_581, %swap3A_582] : memref<98x1x1024xf32, #tpu.memory_space<vmem>>, vector<1x1x1024xf32>
      %swap3A_584 = vector.shape_cast %swap3A_583 : vector<1x1x1024xf32> to vector<1x1024xf32>
      %swap3A_585 = vector.shape_cast %get3A_579 : vector<1x1024xf32> to vector<1x1x1024xf32>
      tpu.vector_store %arg6[%swap3A_580, %swap3A_581, %swap3A_582], %swap3A_585 {strides = array<i32>} : memref<98x1x1024xf32, #tpu.memory_space<vmem>>, vector<1x1x1024xf32>,
      %get3A_586 = arith.constant 0 : index
      %get3A_587 = arith.constant 63488 : index
      %get3A_588 = vector.load %arg4[%get3A_586, %get3A_587] : memref<1x100000xf32, #tpu.memory_space<vmem>>, vector<1x1024xf32>
      %swap3A_589 = arith.constant 62 : index
      %swap3A_590 = arith.constant 0 : index
      %swap3A_591 = arith.constant 0 : index
      %swap3A_592 = vector.load %arg6[%swap3A_589, %swap3A_590, %swap3A_591] : memref<98x1x1024xf32, #tpu.memory_space<vmem>>, vector<1x1x1024xf32>
      %swap3A_593 = vector.shape_cast %swap3A_592 : vector<1x1x1024xf32> to vector<1x1024xf32>
      %swap3A_594 = vector.shape_cast %get3A_588 : vector<1x1024xf32> to vector<1x1x1024xf32>
      tpu.vector_store %arg6[%swap3A_589, %swap3A_590, %swap3A_591], %swap3A_594 {strides = array<i32>} : memref<98x1x1024xf32, #tpu.memory_space<vmem>>, vector<1x1x1024xf32>,
      %get3A_595 = arith.constant 0 : index
      %get3A_596 = arith.constant 64512 : index
      %get3A_597 = vector.load %arg4[%get3A_595, %get3A_596] : memref<1x100000xf32, #tpu.memory_space<vmem>>, vector<1x1024xf32>
      %swap3A_598 = arith.constant 63 : index
      %swap3A_599 = arith.constant 0 : index
      %swap3A_600 = arith.constant 0 : index
      %swap3A_601 = vector.load %arg6[%swap3A_598, %swap3A_599, %swap3A_600] : memref<98x1x1024xf32, #tpu.memory_space<vmem>>, vector<1x1x1024xf32>
      %swap3A_602 = vector.shape_cast %swap3A_601 : vector<1x1x1024xf32> to vector<1x1024xf32>
      %swap3A_603 = vector.shape_cast %get3A_597 : vector<1x1024xf32> to vector<1x1x1024xf32>
      tpu.vector_store %arg6[%swap3A_598, %swap3A_599, %swap3A_600], %swap3A_603 {strides = array<i32>} : memref<98x1x1024xf32, #tpu.memory_space<vmem>>, vector<1x1x1024xf32>,
      %get3A_604 = arith.constant 0 : index
      %get3A_605 = arith.constant 65536 : index
      %get3A_606 = vector.load %arg4[%get3A_604, %get3A_605] : memref<1x100000xf32, #tpu.memory_space<vmem>>, vector<1x1024xf32>
      %swap3A_607 = arith.constant 64 : index
      %swap3A_608 = arith.constant 0 : index
      %swap3A_609 = arith.constant 0 : index
      %swap3A_610 = vector.load %arg6[%swap3A_607, %swap3A_608, %swap3A_609] : memref<98x1x1024xf32, #tpu.memory_space<vmem>>, vector<1x1x1024xf32>
      %swap3A_611 = vector.shape_cast %swap3A_610 : vector<1x1x1024xf32> to vector<1x1024xf32>
      %swap3A_612 = vector.shape_cast %get3A_606 : vector<1x1024xf32> to vector<1x1x1024xf32>
      tpu.vector_store %arg6[%swap3A_607, %swap3A_608, %swap3A_609], %swap3A_612 {strides = array<i32>} : memref<98x1x1024xf32, #tpu.memory_space<vmem>>, vector<1x1x1024xf32>,
      %get3A_613 = arith.constant 0 : index
      %get3A_614 = arith.constant 66560 : index
      %get3A_615 = vector.load %arg4[%get3A_613, %get3A_614] : memref<1x100000xf32, #tpu.memory_space<vmem>>, vector<1x1024xf32>
      %swap3A_616 = arith.constant 65 : index
      %swap3A_617 = arith.constant 0 : index
      %swap3A_618 = arith.constant 0 : index
      %swap3A_619 = vector.load %arg6[%swap3A_616, %swap3A_617, %swap3A_618] : memref<98x1x1024xf32, #tpu.memory_space<vmem>>, vector<1x1x1024xf32>
      %swap3A_620 = vector.shape_cast %swap3A_619 : vector<1x1x1024xf32> to vector<1x1024xf32>
      %swap3A_621 = vector.shape_cast %get3A_615 : vector<1x1024xf32> to vector<1x1x1024xf32>
      tpu.vector_store %arg6[%swap3A_616, %swap3A_617, %swap3A_618], %swap3A_621 {strides = array<i32>} : memref<98x1x1024xf32, #tpu.memory_space<vmem>>, vector<1x1x1024xf32>,
      %get3A_622 = arith.constant 0 : index
      %get3A_623 = arith.constant 67584 : index
      %get3A_624 = vector.load %arg4[%get3A_622, %get3A_623] : memref<1x100000xf32, #tpu.memory_space<vmem>>, vector<1x1024xf32>
      %swap3A_625 = arith.constant 66 : index
      %swap3A_626 = arith.constant 0 : index
      %swap3A_627 = arith.constant 0 : index
      %swap3A_628 = vector.load %arg6[%swap3A_625, %swap3A_626, %swap3A_627] : memref<98x1x1024xf32, #tpu.memory_space<vmem>>, vector<1x1x1024xf32>
      %swap3A_629 = vector.shape_cast %swap3A_628 : vector<1x1x1024xf32> to vector<1x1024xf32>
      %swap3A_630 = vector.shape_cast %get3A_624 : vector<1x1024xf32> to vector<1x1x1024xf32>
      tpu.vector_store %arg6[%swap3A_625, %swap3A_626, %swap3A_627], %swap3A_630 {strides = array<i32>} : memref<98x1x1024xf32, #tpu.memory_space<vmem>>, vector<1x1x1024xf32>,
      %get3A_631 = arith.constant 0 : index
      %get3A_632 = arith.constant 68608 : index
      %get3A_633 = vector.load %arg4[%get3A_631, %get3A_632] : memref<1x100000xf32, #tpu.memory_space<vmem>>, vector<1x1024xf32>
      %swap3A_634 = arith.constant 67 : index
      %swap3A_635 = arith.constant 0 : index
      %swap3A_636 = arith.constant 0 : index
      %swap3A_637 = vector.load %arg6[%swap3A_634, %swap3A_635, %swap3A_636] : memref<98x1x1024xf32, #tpu.memory_space<vmem>>, vector<1x1x1024xf32>
      %swap3A_638 = vector.shape_cast %swap3A_637 : vector<1x1x1024xf32> to vector<1x1024xf32>
      %swap3A_639 = vector.shape_cast %get3A_633 : vector<1x1024xf32> to vector<1x1x1024xf32>
      tpu.vector_store %arg6[%swap3A_634, %swap3A_635, %swap3A_636], %swap3A_639 {strides = array<i32>} : memref<98x1x1024xf32, #tpu.memory_space<vmem>>, vector<1x1x1024xf32>,
      %get3A_640 = arith.constant 0 : index
      %get3A_641 = arith.constant 69632 : index
      %get3A_642 = vector.load %arg4[%get3A_640, %get3A_641] : memref<1x100000xf32, #tpu.memory_space<vmem>>, vector<1x1024xf32>
      %swap3A_643 = arith.constant 68 : index
      %swap3A_644 = arith.constant 0 : index
      %swap3A_645 = arith.constant 0 : index
      %swap3A_646 = vector.load %arg6[%swap3A_643, %swap3A_644, %swap3A_645] : memref<98x1x1024xf32, #tpu.memory_space<vmem>>, vector<1x1x1024xf32>
      %swap3A_647 = vector.shape_cast %swap3A_646 : vector<1x1x1024xf32> to vector<1x1024xf32>
      %swap3A_648 = vector.shape_cast %get3A_642 : vector<1x1024xf32> to vector<1x1x1024xf32>
      tpu.vector_store %arg6[%swap3A_643, %swap3A_644, %swap3A_645], %swap3A_648 {strides = array<i32>} : memref<98x1x1024xf32, #tpu.memory_space<vmem>>, vector<1x1x1024xf32>,
      %get3A_649 = arith.constant 0 : index
      %get3A_650 = arith.constant 70656 : index
      %get3A_651 = vector.load %arg4[%get3A_649, %get3A_650] : memref<1x100000xf32, #tpu.memory_space<vmem>>, vector<1x1024xf32>
      %swap3A_652 = arith.constant 69 : index
      %swap3A_653 = arith.constant 0 : index
      %swap3A_654 = arith.constant 0 : index
      %swap3A_655 = vector.load %arg6[%swap3A_652, %swap3A_653, %swap3A_654] : memref<98x1x1024xf32, #tpu.memory_space<vmem>>, vector<1x1x1024xf32>
      %swap3A_656 = vector.shape_cast %swap3A_655 : vector<1x1x1024xf32> to vector<1x1024xf32>
      %swap3A_657 = vector.shape_cast %get3A_651 : vector<1x1024xf32> to vector<1x1x1024xf32>
      tpu.vector_store %arg6[%swap3A_652, %swap3A_653, %swap3A_654], %swap3A_657 {strides = array<i32>} : memref<98x1x1024xf32, #tpu.memory_space<vmem>>, vector<1x1x1024xf32>,
      %get3A_658 = arith.constant 0 : index
      %get3A_659 = arith.constant 71680 : index
      %get3A_660 = vector.load %arg4[%get3A_658, %get3A_659] : memref<1x100000xf32, #tpu.memory_space<vmem>>, vector<1x1024xf32>
      %swap3A_661 = arith.constant 70 : index
      %swap3A_662 = arith.constant 0 : index
      %swap3A_663 = arith.constant 0 : index
      %swap3A_664 = vector.load %arg6[%swap3A_661, %swap3A_662, %swap3A_663] : memref<98x1x1024xf32, #tpu.memory_space<vmem>>, vector<1x1x1024xf32>
      %swap3A_665 = vector.shape_cast %swap3A_664 : vector<1x1x1024xf32> to vector<1x1024xf32>
      %swap3A_666 = vector.shape_cast %get3A_660 : vector<1x1024xf32> to vector<1x1x1024xf32>
      tpu.vector_store %arg6[%swap3A_661, %swap3A_662, %swap3A_663], %swap3A_666 {strides = array<i32>} : memref<98x1x1024xf32, #tpu.memory_space<vmem>>, vector<1x1x1024xf32>,
      %get3A_667 = arith.constant 0 : index
      %get3A_668 = arith.constant 72704 : index
      %get3A_669 = vector.load %arg4[%get3A_667, %get3A_668] : memref<1x100000xf32, #tpu.memory_space<vmem>>, vector<1x1024xf32>
      %swap3A_670 = arith.constant 71 : index
      %swap3A_671 = arith.constant 0 : index
      %swap3A_672 = arith.constant 0 : index
      %swap3A_673 = vector.load %arg6[%swap3A_670, %swap3A_671, %swap3A_672] : memref<98x1x1024xf32, #tpu.memory_space<vmem>>, vector<1x1x1024xf32>
      %swap3A_674 = vector.shape_cast %swap3A_673 : vector<1x1x1024xf32> to vector<1x1024xf32>
      %swap3A_675 = vector.shape_cast %get3A_669 : vector<1x1024xf32> to vector<1x1x1024xf32>
      tpu.vector_store %arg6[%swap3A_670, %swap3A_671, %swap3A_672], %swap3A_675 {strides = array<i32>} : memref<98x1x1024xf32, #tpu.memory_space<vmem>>, vector<1x1x1024xf32>,
      %get3A_676 = arith.constant 0 : index
      %get3A_677 = arith.constant 73728 : index
      %get3A_678 = vector.load %arg4[%get3A_676, %get3A_677] : memref<1x100000xf32, #tpu.memory_space<vmem>>, vector<1x1024xf32>
      %swap3A_679 = arith.constant 72 : index
      %swap3A_680 = arith.constant 0 : index
      %swap3A_681 = arith.constant 0 : index
      %swap3A_682 = vector.load %arg6[%swap3A_679, %swap3A_680, %swap3A_681] : memref<98x1x1024xf32, #tpu.memory_space<vmem>>, vector<1x1x1024xf32>
      %swap3A_683 = vector.shape_cast %swap3A_682 : vector<1x1x1024xf32> to vector<1x1024xf32>
      %swap3A_684 = vector.shape_cast %get3A_678 : vector<1x1024xf32> to vector<1x1x1024xf32>
      tpu.vector_store %arg6[%swap3A_679, %swap3A_680, %swap3A_681], %swap3A_684 {strides = array<i32>} : memref<98x1x1024xf32, #tpu.memory_space<vmem>>, vector<1x1x1024xf32>,
      %get3A_685 = arith.constant 0 : index
      %get3A_686 = arith.constant 74752 : index
      %get3A_687 = vector.load %arg4[%get3A_685, %get3A_686] : memref<1x100000xf32, #tpu.memory_space<vmem>>, vector<1x1024xf32>
      %swap3A_688 = arith.constant 73 : index
      %swap3A_689 = arith.constant 0 : index
      %swap3A_690 = arith.constant 0 : index
      %swap3A_691 = vector.load %arg6[%swap3A_688, %swap3A_689, %swap3A_690] : memref<98x1x1024xf32, #tpu.memory_space<vmem>>, vector<1x1x1024xf32>
      %swap3A_692 = vector.shape_cast %swap3A_691 : vector<1x1x1024xf32> to vector<1x1024xf32>
      %swap3A_693 = vector.shape_cast %get3A_687 : vector<1x1024xf32> to vector<1x1x1024xf32>
      tpu.vector_store %arg6[%swap3A_688, %swap3A_689, %swap3A_690], %swap3A_693 {strides = array<i32>} : memref<98x1x1024xf32, #tpu.memory_space<vmem>>, vector<1x1x1024xf32>,
      %get3A_694 = arith.constant 0 : index
      %get3A_695 = arith.constant 75776 : index
      %get3A_696 = vector.load %arg4[%get3A_694, %get3A_695] : memref<1x100000xf32, #tpu.memory_space<vmem>>, vector<1x1024xf32>
      %swap3A_697 = arith.constant 74 : index
      %swap3A_698 = arith.constant 0 : index
      %swap3A_699 = arith.constant 0 : index
      %swap3A_700 = vector.load %arg6[%swap3A_697, %swap3A_698, %swap3A_699] : memref<98x1x1024xf32, #tpu.memory_space<vmem>>, vector<1x1x1024xf32>
      %swap3A_701 = vector.shape_cast %swap3A_700 : vector<1x1x1024xf32> to vector<1x1024xf32>
      %swap3A_702 = vector.shape_cast %get3A_696 : vector<1x1024xf32> to vector<1x1x1024xf32>
      tpu.vector_store %arg6[%swap3A_697, %swap3A_698, %swap3A_699], %swap3A_702 {strides = array<i32>} : memref<98x1x1024xf32, #tpu.memory_space<vmem>>, vector<1x1x1024xf32>,
      %get3A_703 = arith.constant 0 : index
      %get3A_704 = arith.constant 76800 : index
      %get3A_705 = vector.load %arg4[%get3A_703, %get3A_704] : memref<1x100000xf32, #tpu.memory_space<vmem>>, vector<1x1024xf32>
      %swap3A_706 = arith.constant 75 : index
      %swap3A_707 = arith.constant 0 : index
      %swap3A_708 = arith.constant 0 : index
      %swap3A_709 = vector.load %arg6[%swap3A_706, %swap3A_707, %swap3A_708] : memref<98x1x1024xf32, #tpu.memory_space<vmem>>, vector<1x1x1024xf32>
      %swap3A_710 = vector.shape_cast %swap3A_709 : vector<1x1x1024xf32> to vector<1x1024xf32>
      %swap3A_711 = vector.shape_cast %get3A_705 : vector<1x1024xf32> to vector<1x1x1024xf32>
      tpu.vector_store %arg6[%swap3A_706, %swap3A_707, %swap3A_708], %swap3A_711 {strides = array<i32>} : memref<98x1x1024xf32, #tpu.memory_space<vmem>>, vector<1x1x1024xf32>,
      %get3A_712 = arith.constant 0 : index
      %get3A_713 = arith.constant 77824 : index
      %get3A_714 = vector.load %arg4[%get3A_712, %get3A_713] : memref<1x100000xf32, #tpu.memory_space<vmem>>, vector<1x1024xf32>
      %swap3A_715 = arith.constant 76 : index
      %swap3A_716 = arith.constant 0 : index
      %swap3A_717 = arith.constant 0 : index
      %swap3A_718 = vector.load %arg6[%swap3A_715, %swap3A_716, %swap3A_717] : memref<98x1x1024xf32, #tpu.memory_space<vmem>>, vector<1x1x1024xf32>
      %swap3A_719 = vector.shape_cast %swap3A_718 : vector<1x1x1024xf32> to vector<1x1024xf32>
      %swap3A_720 = vector.shape_cast %get3A_714 : vector<1x1024xf32> to vector<1x1x1024xf32>
      tpu.vector_store %arg6[%swap3A_715, %swap3A_716, %swap3A_717], %swap3A_720 {strides = array<i32>} : memref<98x1x1024xf32, #tpu.memory_space<vmem>>, vector<1x1x1024xf32>,
      %get3A_721 = arith.constant 0 : index
      %get3A_722 = arith.constant 78848 : index
      %get3A_723 = vector.load %arg4[%get3A_721, %get3A_722] : memref<1x100000xf32, #tpu.memory_space<vmem>>, vector<1x1024xf32>
      %swap3A_724 = arith.constant 77 : index
      %swap3A_725 = arith.constant 0 : index
      %swap3A_726 = arith.constant 0 : index
      %swap3A_727 = vector.load %arg6[%swap3A_724, %swap3A_725, %swap3A_726] : memref<98x1x1024xf32, #tpu.memory_space<vmem>>, vector<1x1x1024xf32>
      %swap3A_728 = vector.shape_cast %swap3A_727 : vector<1x1x1024xf32> to vector<1x1024xf32>
      %swap3A_729 = vector.shape_cast %get3A_723 : vector<1x1024xf32> to vector<1x1x1024xf32>
      tpu.vector_store %arg6[%swap3A_724, %swap3A_725, %swap3A_726], %swap3A_729 {strides = array<i32>} : memref<98x1x1024xf32, #tpu.memory_space<vmem>>, vector<1x1x1024xf32>,
      %get3A_730 = arith.constant 0 : index
      %get3A_731 = arith.constant 79872 : index
      %get3A_732 = vector.load %arg4[%get3A_730, %get3A_731] : memref<1x100000xf32, #tpu.memory_space<vmem>>, vector<1x1024xf32>
      %swap3A_733 = arith.constant 78 : index
      %swap3A_734 = arith.constant 0 : index
      %swap3A_735 = arith.constant 0 : index
      %swap3A_736 = vector.load %arg6[%swap3A_733, %swap3A_734, %swap3A_735] : memref<98x1x1024xf32, #tpu.memory_space<vmem>>, vector<1x1x1024xf32>
      %swap3A_737 = vector.shape_cast %swap3A_736 : vector<1x1x1024xf32> to vector<1x1024xf32>
      %swap3A_738 = vector.shape_cast %get3A_732 : vector<1x1024xf32> to vector<1x1x1024xf32>
      tpu.vector_store %arg6[%swap3A_733, %swap3A_734, %swap3A_735], %swap3A_738 {strides = array<i32>} : memref<98x1x1024xf32, #tpu.memory_space<vmem>>, vector<1x1x1024xf32>,
      %get3A_739 = arith.constant 0 : index
      %get3A_740 = arith.constant 80896 : index
      %get3A_741 = vector.load %arg4[%get3A_739, %get3A_740] : memref<1x100000xf32, #tpu.memory_space<vmem>>, vector<1x1024xf32>
      %swap3A_742 = arith.constant 79 : index
      %swap3A_743 = arith.constant 0 : index
      %swap3A_744 = arith.constant 0 : index
      %swap3A_745 = vector.load %arg6[%swap3A_742, %swap3A_743, %swap3A_744] : memref<98x1x1024xf32, #tpu.memory_space<vmem>>, vector<1x1x1024xf32>
      %swap3A_746 = vector.shape_cast %swap3A_745 : vector<1x1x1024xf32> to vector<1x1024xf32>
      %swap3A_747 = vector.shape_cast %get3A_741 : vector<1x1024xf32> to vector<1x1x1024xf32>
      tpu.vector_store %arg6[%swap3A_742, %swap3A_743, %swap3A_744], %swap3A_747 {strides = array<i32>} : memref<98x1x1024xf32, #tpu.memory_space<vmem>>, vector<1x1x1024xf32>,
      %get3A_748 = arith.constant 0 : index
      %get3A_749 = arith.constant 81920 : index
      %get3A_750 = vector.load %arg4[%get3A_748, %get3A_749] : memref<1x100000xf32, #tpu.memory_space<vmem>>, vector<1x1024xf32>
      %swap3A_751 = arith.constant 80 : index
      %swap3A_752 = arith.constant 0 : index
      %swap3A_753 = arith.constant 0 : index
      %swap3A_754 = vector.load %arg6[%swap3A_751, %swap3A_752, %swap3A_753] : memref<98x1x1024xf32, #tpu.memory_space<vmem>>, vector<1x1x1024xf32>
      %swap3A_755 = vector.shape_cast %swap3A_754 : vector<1x1x1024xf32> to vector<1x1024xf32>
      %swap3A_756 = vector.shape_cast %get3A_750 : vector<1x1024xf32> to vector<1x1x1024xf32>
      tpu.vector_store %arg6[%swap3A_751, %swap3A_752, %swap3A_753], %swap3A_756 {strides = array<i32>} : memref<98x1x1024xf32, #tpu.memory_space<vmem>>, vector<1x1x1024xf32>,
      %get3A_757 = arith.constant 0 : index
      %get3A_758 = arith.constant 82944 : index
      %get3A_759 = vector.load %arg4[%get3A_757, %get3A_758] : memref<1x100000xf32, #tpu.memory_space<vmem>>, vector<1x1024xf32>
      %swap3A_760 = arith.constant 81 : index
      %swap3A_761 = arith.constant 0 : index
      %swap3A_762 = arith.constant 0 : index
      %swap3A_763 = vector.load %arg6[%swap3A_760, %swap3A_761, %swap3A_762] : memref<98x1x1024xf32, #tpu.memory_space<vmem>>, vector<1x1x1024xf32>
      %swap3A_764 = vector.shape_cast %swap3A_763 : vector<1x1x1024xf32> to vector<1x1024xf32>
      %swap3A_765 = vector.shape_cast %get3A_759 : vector<1x1024xf32> to vector<1x1x1024xf32>
      tpu.vector_store %arg6[%swap3A_760, %swap3A_761, %swap3A_762], %swap3A_765 {strides = array<i32>} : memref<98x1x1024xf32, #tpu.memory_space<vmem>>, vector<1x1x1024xf32>,
      %get3A_766 = arith.constant 0 : index
      %get3A_767 = arith.constant 83968 : index
      %get3A_768 = vector.load %arg4[%get3A_766, %get3A_767] : memref<1x100000xf32, #tpu.memory_space<vmem>>, vector<1x1024xf32>
      %swap3A_769 = arith.constant 82 : index
      %swap3A_770 = arith.constant 0 : index
      %swap3A_771 = arith.constant 0 : index
      %swap3A_772 = vector.load %arg6[%swap3A_769, %swap3A_770, %swap3A_771] : memref<98x1x1024xf32, #tpu.memory_space<vmem>>, vector<1x1x1024xf32>
      %swap3A_773 = vector.shape_cast %swap3A_772 : vector<1x1x1024xf32> to vector<1x1024xf32>
      %swap3A_774 = vector.shape_cast %get3A_768 : vector<1x1024xf32> to vector<1x1x1024xf32>
      tpu.vector_store %arg6[%swap3A_769, %swap3A_770, %swap3A_771], %swap3A_774 {strides = array<i32>} : memref<98x1x1024xf32, #tpu.memory_space<vmem>>, vector<1x1x1024xf32>,
      %get3A_775 = arith.constant 0 : index
      %get3A_776 = arith.constant 84992 : index
      %get3A_777 = vector.load %arg4[%get3A_775, %get3A_776] : memref<1x100000xf32, #tpu.memory_space<vmem>>, vector<1x1024xf32>
      %swap3A_778 = arith.constant 83 : index
      %swap3A_779 = arith.constant 0 : index
      %swap3A_780 = arith.constant 0 : index
      %swap3A_781 = vector.load %arg6[%swap3A_778, %swap3A_779, %swap3A_780] : memref<98x1x1024xf32, #tpu.memory_space<vmem>>, vector<1x1x1024xf32>
      %swap3A_782 = vector.shape_cast %swap3A_781 : vector<1x1x1024xf32> to vector<1x1024xf32>
      %swap3A_783 = vector.shape_cast %get3A_777 : vector<1x1024xf32> to vector<1x1x1024xf32>
      tpu.vector_store %arg6[%swap3A_778, %swap3A_779, %swap3A_780], %swap3A_783 {strides = array<i32>} : memref<98x1x1024xf32, #tpu.memory_space<vmem>>, vector<1x1x1024xf32>,
      %get3A_784 = arith.constant 0 : index
      %get3A_785 = arith.constant 86016 : index
      %get3A_786 = vector.load %arg4[%get3A_784, %get3A_785] : memref<1x100000xf32, #tpu.memory_space<vmem>>, vector<1x1024xf32>
      %swap3A_787 = arith.constant 84 : index
      %swap3A_788 = arith.constant 0 : index
      %swap3A_789 = arith.constant 0 : index
      %swap3A_790 = vector.load %arg6[%swap3A_787, %swap3A_788, %swap3A_789] : memref<98x1x1024xf32, #tpu.memory_space<vmem>>, vector<1x1x1024xf32>
      %swap3A_791 = vector.shape_cast %swap3A_790 : vector<1x1x1024xf32> to vector<1x1024xf32>
      %swap3A_792 = vector.shape_cast %get3A_786 : vector<1x1024xf32> to vector<1x1x1024xf32>
      tpu.vector_store %arg6[%swap3A_787, %swap3A_788, %swap3A_789], %swap3A_792 {strides = array<i32>} : memref<98x1x1024xf32, #tpu.memory_space<vmem>>, vector<1x1x1024xf32>,
      %get3A_793 = arith.constant 0 : index
      %get3A_794 = arith.constant 87040 : index
      %get3A_795 = vector.load %arg4[%get3A_793, %get3A_794] : memref<1x100000xf32, #tpu.memory_space<vmem>>, vector<1x1024xf32>
      %swap3A_796 = arith.constant 85 : index
      %swap3A_797 = arith.constant 0 : index
      %swap3A_798 = arith.constant 0 : index
      %swap3A_799 = vector.load %arg6[%swap3A_796, %swap3A_797, %swap3A_798] : memref<98x1x1024xf32, #tpu.memory_space<vmem>>, vector<1x1x1024xf32>
      %swap3A_800 = vector.shape_cast %swap3A_799 : vector<1x1x1024xf32> to vector<1x1024xf32>
      %swap3A_801 = vector.shape_cast %get3A_795 : vector<1x1024xf32> to vector<1x1x1024xf32>
      tpu.vector_store %arg6[%swap3A_796, %swap3A_797, %swap3A_798], %swap3A_801 {strides = array<i32>} : memref<98x1x1024xf32, #tpu.memory_space<vmem>>, vector<1x1x1024xf32>,
      %get3A_802 = arith.constant 0 : index
      %get3A_803 = arith.constant 88064 : index
      %get3A_804 = vector.load %arg4[%get3A_802, %get3A_803] : memref<1x100000xf32, #tpu.memory_space<vmem>>, vector<1x1024xf32>
      %swap3A_805 = arith.constant 86 : index
      %swap3A_806 = arith.constant 0 : index
      %swap3A_807 = arith.constant 0 : index
      %swap3A_808 = vector.load %arg6[%swap3A_805, %swap3A_806, %swap3A_807] : memref<98x1x1024xf32, #tpu.memory_space<vmem>>, vector<1x1x1024xf32>
      %swap3A_809 = vector.shape_cast %swap3A_808 : vector<1x1x1024xf32> to vector<1x1024xf32>
      %swap3A_810 = vector.shape_cast %get3A_804 : vector<1x1024xf32> to vector<1x1x1024xf32>
      tpu.vector_store %arg6[%swap3A_805, %swap3A_806, %swap3A_807], %swap3A_810 {strides = array<i32>} : memref<98x1x1024xf32, #tpu.memory_space<vmem>>, vector<1x1x1024xf32>,
      %get3A_811 = arith.constant 0 : index
      %get3A_812 = arith.constant 89088 : index
      %get3A_813 = vector.load %arg4[%get3A_811, %get3A_812] : memref<1x100000xf32, #tpu.memory_space<vmem>>, vector<1x1024xf32>
      %swap3A_814 = arith.constant 87 : index
      %swap3A_815 = arith.constant 0 : index
      %swap3A_816 = arith.constant 0 : index
      %swap3A_817 = vector.load %arg6[%swap3A_814, %swap3A_815, %swap3A_816] : memref<98x1x1024xf32, #tpu.memory_space<vmem>>, vector<1x1x1024xf32>
      %swap3A_818 = vector.shape_cast %swap3A_817 : vector<1x1x1024xf32> to vector<1x1024xf32>
      %swap3A_819 = vector.shape_cast %get3A_813 : vector<1x1024xf32> to vector<1x1x1024xf32>
      tpu.vector_store %arg6[%swap3A_814, %swap3A_815, %swap3A_816], %swap3A_819 {strides = array<i32>} : memref<98x1x1024xf32, #tpu.memory_space<vmem>>, vector<1x1x1024xf32>,
      %get3A_820 = arith.constant 0 : index
      %get3A_821 = arith.constant 90112 : index
      %get3A_822 = vector.load %arg4[%get3A_820, %get3A_821] : memref<1x100000xf32, #tpu.memory_space<vmem>>, vector<1x1024xf32>
      %swap3A_823 = arith.constant 88 : index
      %swap3A_824 = arith.constant 0 : index
      %swap3A_825 = arith.constant 0 : index
      %swap3A_826 = vector.load %arg6[%swap3A_823, %swap3A_824, %swap3A_825] : memref<98x1x1024xf32, #tpu.memory_space<vmem>>, vector<1x1x1024xf32>
      %swap3A_827 = vector.shape_cast %swap3A_826 : vector<1x1x1024xf32> to vector<1x1024xf32>
      %swap3A_828 = vector.shape_cast %get3A_822 : vector<1x1024xf32> to vector<1x1x1024xf32>
      tpu.vector_store %arg6[%swap3A_823, %swap3A_824, %swap3A_825], %swap3A_828 {strides = array<i32>} : memref<98x1x1024xf32, #tpu.memory_space<vmem>>, vector<1x1x1024xf32>,
      %get3A_829 = arith.constant 0 : index
      %get3A_830 = arith.constant 91136 : index
      %get3A_831 = vector.load %arg4[%get3A_829, %get3A_830] : memref<1x100000xf32, #tpu.memory_space<vmem>>, vector<1x1024xf32>
      %swap3A_832 = arith.constant 89 : index
      %swap3A_833 = arith.constant 0 : index
      %swap3A_834 = arith.constant 0 : index
      %swap3A_835 = vector.load %arg6[%swap3A_832, %swap3A_833, %swap3A_834] : memref<98x1x1024xf32, #tpu.memory_space<vmem>>, vector<1x1x1024xf32>
      %swap3A_836 = vector.shape_cast %swap3A_835 : vector<1x1x1024xf32> to vector<1x1024xf32>
      %swap3A_837 = vector.shape_cast %get3A_831 : vector<1x1024xf32> to vector<1x1x1024xf32>
      tpu.vector_store %arg6[%swap3A_832, %swap3A_833, %swap3A_834], %swap3A_837 {strides = array<i32>} : memref<98x1x1024xf32, #tpu.memory_space<vmem>>, vector<1x1x1024xf32>,
      %get3A_838 = arith.constant 0 : index
      %get3A_839 = arith.constant 92160 : index
      %get3A_840 = vector.load %arg4[%get3A_838, %get3A_839] : memref<1x100000xf32, #tpu.memory_space<vmem>>, vector<1x1024xf32>
      %swap3A_841 = arith.constant 90 : index
      %swap3A_842 = arith.constant 0 : index
      %swap3A_843 = arith.constant 0 : index
      %swap3A_844 = vector.load %arg6[%swap3A_841, %swap3A_842, %swap3A_843] : memref<98x1x1024xf32, #tpu.memory_space<vmem>>, vector<1x1x1024xf32>
      %swap3A_845 = vector.shape_cast %swap3A_844 : vector<1x1x1024xf32> to vector<1x1024xf32>
      %swap3A_846 = vector.shape_cast %get3A_840 : vector<1x1024xf32> to vector<1x1x1024xf32>
      tpu.vector_store %arg6[%swap3A_841, %swap3A_842, %swap3A_843], %swap3A_846 {strides = array<i32>} : memref<98x1x1024xf32, #tpu.memory_space<vmem>>, vector<1x1x1024xf32>,
      %get3A_847 = arith.constant 0 : index
      %get3A_848 = arith.constant 93184 : index
      %get3A_849 = vector.load %arg4[%get3A_847, %get3A_848] : memref<1x100000xf32, #tpu.memory_space<vmem>>, vector<1x1024xf32>
      %swap3A_850 = arith.constant 91 : index
      %swap3A_851 = arith.constant 0 : index
      %swap3A_852 = arith.constant 0 : index
      %swap3A_853 = vector.load %arg6[%swap3A_850, %swap3A_851, %swap3A_852] : memref<98x1x1024xf32, #tpu.memory_space<vmem>>, vector<1x1x1024xf32>
      %swap3A_854 = vector.shape_cast %swap3A_853 : vector<1x1x1024xf32> to vector<1x1024xf32>
      %swap3A_855 = vector.shape_cast %get3A_849 : vector<1x1024xf32> to vector<1x1x1024xf32>
      tpu.vector_store %arg6[%swap3A_850, %swap3A_851, %swap3A_852], %swap3A_855 {strides = array<i32>} : memref<98x1x1024xf32, #tpu.memory_space<vmem>>, vector<1x1x1024xf32>,
      %get3A_856 = arith.constant 0 : index
      %get3A_857 = arith.constant 94208 : index
      %get3A_858 = vector.load %arg4[%get3A_856, %get3A_857] : memref<1x100000xf32, #tpu.memory_space<vmem>>, vector<1x1024xf32>
      %swap3A_859 = arith.constant 92 : index
      %swap3A_860 = arith.constant 0 : index
      %swap3A_861 = arith.constant 0 : index
      %swap3A_862 = vector.load %arg6[%swap3A_859, %swap3A_860, %swap3A_861] : memref<98x1x1024xf32, #tpu.memory_space<vmem>>, vector<1x1x1024xf32>
      %swap3A_863 = vector.shape_cast %swap3A_862 : vector<1x1x1024xf32> to vector<1x1024xf32>
      %swap3A_864 = vector.shape_cast %get3A_858 : vector<1x1024xf32> to vector<1x1x1024xf32>
      tpu.vector_store %arg6[%swap3A_859, %swap3A_860, %swap3A_861], %swap3A_864 {strides = array<i32>} : memref<98x1x1024xf32, #tpu.memory_space<vmem>>, vector<1x1x1024xf32>,
      %get3A_865 = arith.constant 0 : index
      %get3A_866 = arith.constant 95232 : index
      %get3A_867 = vector.load %arg4[%get3A_865, %get3A_866] : memref<1x100000xf32, #tpu.memory_space<vmem>>, vector<1x1024xf32>
      %swap3A_868 = arith.constant 93 : index
      %swap3A_869 = arith.constant 0 : index
      %swap3A_870 = arith.constant 0 : index
      %swap3A_871 = vector.load %arg6[%swap3A_868, %swap3A_869, %swap3A_870] : memref<98x1x1024xf32, #tpu.memory_space<vmem>>, vector<1x1x1024xf32>
      %swap3A_872 = vector.shape_cast %swap3A_871 : vector<1x1x1024xf32> to vector<1x1024xf32>
      %swap3A_873 = vector.shape_cast %get3A_867 : vector<1x1024xf32> to vector<1x1x1024xf32>
      tpu.vector_store %arg6[%swap3A_868, %swap3A_869, %swap3A_870], %swap3A_873 {strides = array<i32>} : memref<98x1x1024xf32, #tpu.memory_space<vmem>>, vector<1x1x1024xf32>,
      %get3A_874 = arith.constant 0 : index
      %get3A_875 = arith.constant 96256 : index
      %get3A_876 = vector.load %arg4[%get3A_874, %get3A_875] : memref<1x100000xf32, #tpu.memory_space<vmem>>, vector<1x1024xf32>
      %swap3A_877 = arith.constant 94 : index
      %swap3A_878 = arith.constant 0 : index
      %swap3A_879 = arith.constant 0 : index
      %swap3A_880 = vector.load %arg6[%swap3A_877, %swap3A_878, %swap3A_879] : memref<98x1x1024xf32, #tpu.memory_space<vmem>>, vector<1x1x1024xf32>
      %swap3A_881 = vector.shape_cast %swap3A_880 : vector<1x1x1024xf32> to vector<1x1024xf32>
      %swap3A_882 = vector.shape_cast %get3A_876 : vector<1x1024xf32> to vector<1x1x1024xf32>
      tpu.vector_store %arg6[%swap3A_877, %swap3A_878, %swap3A_879], %swap3A_882 {strides = array<i32>} : memref<98x1x1024xf32, #tpu.memory_space<vmem>>, vector<1x1x1024xf32>,
      %get3A_883 = arith.constant 0 : index
      %get3A_884 = arith.constant 97280 : index
      %get3A_885 = vector.load %arg4[%get3A_883, %get3A_884] : memref<1x100000xf32, #tpu.memory_space<vmem>>, vector<1x1024xf32>
      %swap3A_886 = arith.constant 95 : index
      %swap3A_887 = arith.constant 0 : index
      %swap3A_888 = arith.constant 0 : index
      %swap3A_889 = vector.load %arg6[%swap3A_886, %swap3A_887, %swap3A_888] : memref<98x1x1024xf32, #tpu.memory_space<vmem>>, vector<1x1x1024xf32>
      %swap3A_890 = vector.shape_cast %swap3A_889 : vector<1x1x1024xf32> to vector<1x1024xf32>
      %swap3A_891 = vector.shape_cast %get3A_885 : vector<1x1024xf32> to vector<1x1x1024xf32>
      tpu.vector_store %arg6[%swap3A_886, %swap3A_887, %swap3A_888], %swap3A_891 {strides = array<i32>} : memref<98x1x1024xf32, #tpu.memory_space<vmem>>, vector<1x1x1024xf32>,
      %get3A_892 = arith.constant 0 : index
      %get3A_893 = arith.constant 98304 : index
      %get3A_894 = vector.load %arg4[%get3A_892, %get3A_893] : memref<1x100000xf32, #tpu.memory_space<vmem>>, vector<1x1024xf32>
      %swap3A_895 = arith.constant 96 : index
      %swap3A_896 = arith.constant 0 : index
      %swap3A_897 = arith.constant 0 : index
      %swap3A_898 = vector.load %arg6[%swap3A_895, %swap3A_896, %swap3A_897] : memref<98x1x1024xf32, #tpu.memory_space<vmem>>, vector<1x1x1024xf32>
      %swap3A_899 = vector.shape_cast %swap3A_898 : vector<1x1x1024xf32> to vector<1x1024xf32>
      %swap3A_900 = vector.shape_cast %get3A_894 : vector<1x1024xf32> to vector<1x1x1024xf32>
      tpu.vector_store %arg6[%swap3A_895, %swap3A_896, %swap3A_897], %swap3A_900 {strides = array<i32>} : memref<98x1x1024xf32, #tpu.memory_space<vmem>>, vector<1x1x1024xf32>,
      %get3A_901 = arith.constant 0 : index
      %get3A_902 = arith.constant 99328 : index
      %get3A_903 = vector.load %arg4[%get3A_901, %get3A_902] : memref<1x100000xf32, #tpu.memory_space<vmem>>, vector<1x672xf32>
      %broadcast_in_dim3A_904 = arith.constant -1.000000e+30 : f32
      %broadcast_in_dim3A_905 = vector.broadcast %broadcast_in_dim3A_904 : f32 to vector<1x352xf32>
      %concatenate3A = tpu.concatenate %get3A_903, %broadcast_in_dim3A_905 in 1 : vector<1x672xf32>, vector<1x352xf32> -> vector<1x1024xf32>
      %swap3A_906 = arith.constant 97 : index
      %swap3A_907 = arith.constant 0 : index
      %swap3A_908 = arith.constant 0 : index
      %swap3A_909 = vector.load %arg6[%swap3A_906, %swap3A_907, %swap3A_908] : memref<98x1x1024xf32, #tpu.memory_space<vmem>>, vector<1x1x1024xf32>
      %swap3A_910 = vector.shape_cast %swap3A_909 : vector<1x1x1024xf32> to vector<1x1024xf32>
      %swap3A_911 = vector.shape_cast %concatenate3A : vector<1x1024xf32> to vector<1x1x1024xf32>
      tpu.vector_store %arg6[%swap3A_906, %swap3A_907, %swap3A_908], %swap3A_911 {strides = array<i32>} : memref<98x1x1024xf32, #tpu.memory_space<vmem>>, vector<1x1x1024xf32>,
    } else {
    }
    %eq3A_4 = arith.constant 0 : i32
    %eq3A_5 = arith.cmpi eq, %arg0, %eq3A_4 : i32
    %convert_element_type3A_6 = arith.extui %eq3A_5 : i1 to i32
    %cond3A_7 = arith.constant 0 : i32
    %cond3A_8 = arith.cmpi ne, %convert_element_type3A_6, %cond3A_7 : i32
    scf.if %cond3A_8 {
      %get3A = arith.constant 0 : index
      %get3A_14 = arith.constant 0 : index
      %get3A_15 = vector.load %arg3[%get3A, %get3A_14] : memref<1024x64xf32, #tpu.memory_space<vmem>>, vector<1024x64xf32>
      %convert_element_type3A_16 = arith.truncf %get3A_15 : vector<1024x64xf32> to vector<1024x64xbf16>
      %iota3A = tpu.iota {dimensions = array<i32: 0>} : vector<1024x64xi32>
      %lt3A = arith.constant 97 : i32
      %lt3A_17 = arith.cmpi slt, %arg1, %lt3A : i32
      %lt3A_18 = arith.constant 672 : i32
      %lt3A_19 = vector.broadcast %lt3A_18 : i32 to vector<1024x64xi32>
      %lt3A_20 = arith.cmpi slt, %iota3A, %lt3A_19 : vector<1024x64xi32>
      %or3A = vector.broadcast %lt3A_17 : i1 to vector<1024x64xi1>
      %or3A_21 = arith.ori %or3A, %lt3A_20 : vector<1024x64xi1>
      %broadcast_in_dim3A = arith.constant 0.000000e+00 : bf16
      %broadcast_in_dim3A_22 = vector.broadcast %broadcast_in_dim3A : bf16 to vector<1024x64xbf16>
      %select_n3A = arith.select %or3A_21, %convert_element_type3A_16, %broadcast_in_dim3A_22 : vector<1024x64xi1>, vector<1024x64xbf16>
      %get3A_23 = arith.constant 0 : index
      %get3A_24 = arith.constant 0 : index
      %get3A_25 = vector.load %arg7[%get3A_23, %get3A_24] : memref<1024x64xbf16, #tpu.memory_space<vmem>>, vector<1024x64xbf16>
      %dot_general3A = arith.constant dense<0.000000e+00> : vector<1024x1024xf32>
      %dot_general3A_26 = tpu.matmul %get3A_25, %select_n3A, %dot_general3A {dimension_numbers = #tpu.dot_dimension_numbers<[1], [1], [0], [0], [0, 0, 1, 0], [], []>, transpose_lhs_hint = false} : vector<1024x64xbf16>, vector<1024x64xbf16>, vector<1024x1024xf32> -> vector<1024x1024xf32>
      %get3A_27 = arith.index_cast %arg1 : i32 to index
      %get3A_28 = arith.constant 0 : index
      %get3A_29 = arith.constant 0 : index
      %get3A_30 = vector.load %arg6[%get3A_27, %get3A_28, %get3A_29] : memref<98x1x1024xf32, #tpu.memory_space<vmem>>, vector<1x1x1024xf32>
      %get3A_31 = vector.shape_cast %get3A_30 : vector<1x1x1024xf32> to vector<1x1024xf32>
      %add3A = vector.broadcast %get3A_31 : vector<1x1024xf32> to vector<1024x1024xf32>
      %add3A_32 = arith.addf %dot_general3A_26, %add3A : vector<1024x1024xf32>
      %get3A_33 = arith.constant 0 : index
      %get3A_34 = arith.constant 0 : index
      %get3A_35 = vector.load %arg8[%get3A_33, %get3A_34] : memref<1024x128xf32, #tpu.memory_space<vmem>>, vector<1024x1xf32>
      %get3A_36 = arith.constant 0 : index
      %get3A_37 = arith.constant 0 : index
      %get3A_38 = vector.load %arg9[%get3A_36, %get3A_37] : memref<1024x128xf32, #tpu.memory_space<vmem>>, vector<1024x1xf32>
      %reduce_max3A = arith.constant dense<0xFF800000> : vector<1024xf32>
      %reduce_max3A_39 = vector.multi_reduction <maximumf>, %add3A_32, %reduce_max3A [1] : vector<1024x1024xf32> to vector<1024xf32>
      %broadcast_in_dim3A_40 = vector.shape_cast %reduce_max3A_39 : vector<1024xf32> to vector<1024x1xf32>
      %max3A = arith.maximumf %get3A_35, %broadcast_in_dim3A_40 : vector<1024x1xf32>
      %sub3A = arith.subf %get3A_35, %max3A : vector<1024x1xf32>
      %exp3A = math.exp %sub3A : vector<1024x1xf32>
      %mul3A = arith.mulf %get3A_38, %exp3A : vector<1024x1xf32>
      %sub3A_41 = vector.broadcast %max3A : vector<1024x1xf32> to vector<1024x1024xf32>
      %sub3A_42 = arith.subf %add3A_32, %sub3A_41 : vector<1024x1024xf32>
      %exp3A_43 = math.exp %sub3A_42 : vector<1024x1024xf32>
      %reduce_sum3A = arith.constant dense<0.000000e+00> : vector<1024xf32>
      %reduce_sum3A_44 = vector.multi_reduction <add>, %exp3A_43, %reduce_sum3A [1] : vector<1024x1024xf32> to vector<1024xf32>
      %broadcast_in_dim3A_45 = vector.shape_cast %reduce_sum3A_44 : vector<1024xf32> to vector<1024x1xf32>
      %add3A_46 = arith.addf %mul3A, %broadcast_in_dim3A_45 : vector<1024x1xf32>
      %broadcast_in_dim3A_47 = vector.shape_cast %max3A : vector<1024x1xf32> to vector<1024x1xf32>
      %broadcast_in_dim3A_48 = vector.broadcast %broadcast_in_dim3A_47 : vector<1024x1xf32> to vector<1024x128xf32>
      %swap3A = arith.constant 0 : index
      %swap3A_49 = arith.constant 0 : index
      %swap3A_50 = vector.load %arg8[%swap3A, %swap3A_49] : memref<1024x128xf32, #tpu.memory_space<vmem>>, vector<1024x128xf32>
      tpu.vector_store %arg8[%swap3A, %swap3A_49], %broadcast_in_dim3A_48 {strides = array<i32>} : memref<1024x128xf32, #tpu.memory_space<vmem>>, vector<1024x128xf32>,
      %broadcast_in_dim3A_51 = vector.shape_cast %add3A_46 : vector<1024x1xf32> to vector<1024x1xf32>
      %broadcast_in_dim3A_52 = vector.broadcast %broadcast_in_dim3A_51 : vector<1024x1xf32> to vector<1024x128xf32>
      %swap3A_53 = arith.constant 0 : index
      %swap3A_54 = arith.constant 0 : index
      %swap3A_55 = vector.load %arg9[%swap3A_53, %swap3A_54] : memref<1024x128xf32, #tpu.memory_space<vmem>>, vector<1024x128xf32>
      tpu.vector_store %arg9[%swap3A_53, %swap3A_54], %broadcast_in_dim3A_52 {strides = array<i32>} : memref<1024x128xf32, #tpu.memory_space<vmem>>, vector<1024x128xf32>,
      %eq3A_56 = arith.constant 97 : i32
      %eq3A_57 = arith.cmpi eq, %arg1, %eq3A_56 : i32
      %convert_element_type3A_58 = arith.extui %eq3A_57 : i1 to i32
      %cond3A_59 = arith.constant 0 : i32
      %cond3A_60 = arith.cmpi ne, %convert_element_type3A_58, %cond3A_59 : i32
      scf.if %cond3A_60 {
        %log3A = math.log %add3A_46 : vector<1024x1xf32>
        %add3A_61 = arith.addf %max3A, %log3A : vector<1024x1xf32>
        %broadcast_in_dim3A_62 = vector.shape_cast %add3A_61 : vector<1024x1xf32> to vector<1024x1xf32>
        %broadcast_in_dim3A_63 = vector.broadcast %broadcast_in_dim3A_62 : vector<1024x1xf32> to vector<1024x128xf32>
        %swap3A_64 = arith.constant 0 : index
        %swap3A_65 = arith.constant 0 : index
        %swap3A_66 = vector.load %arg10[%swap3A_64, %swap3A_65] : memref<1024x128xf32, #tpu.memory_space<vmem>>, vector<1024x128xf32>
        tpu.vector_store %arg10[%swap3A_64, %swap3A_65], %broadcast_in_dim3A_63 {strides = array<i32>} : memref<1024x128xf32, #tpu.memory_space<vmem>>, vector<1024x128xf32>,
      } else {
      }
    } else {
    }
    %eq3A_9 = arith.constant 1 : i32
    %eq3A_10 = arith.cmpi eq, %arg0, %eq3A_9 : i32
    %convert_element_type3A_11 = arith.extui %eq3A_10 : i1 to i32
    %cond3A_12 = arith.constant 0 : i32
    %cond3A_13 = arith.cmpi ne, %convert_element_type3A_11, %cond3A_12 : i32
    scf.if %cond3A_13 {
      %get3A = arith.constant 0 : index
      %get3A_14 = arith.constant 0 : index
      %get3A_15 = vector.load %arg3[%get3A, %get3A_14] : memref<1024x64xf32, #tpu.memory_space<vmem>>, vector<1024x64xf32>
      %convert_element_type3A_16 = arith.truncf %get3A_15 : vector<1024x64xf32> to vector<1024x64xbf16>
      %iota3A = tpu.iota {dimensions = array<i32: 0>} : vector<1024x64xi32>
      %lt3A = arith.constant 97 : i32
      %lt3A_17 = arith.cmpi slt, %arg1, %lt3A : i32
      %lt3A_18 = arith.constant 672 : i32
      %lt3A_19 = vector.broadcast %lt3A_18 : i32 to vector<1024x64xi32>
      %lt3A_20 = arith.cmpi slt, %iota3A, %lt3A_19 : vector<1024x64xi32>
      %or3A = vector.broadcast %lt3A_17 : i1 to vector<1024x64xi1>
      %or3A_21 = arith.ori %or3A, %lt3A_20 : vector<1024x64xi1>
      %broadcast_in_dim3A = arith.constant 0.000000e+00 : bf16
      %broadcast_in_dim3A_22 = vector.broadcast %broadcast_in_dim3A : bf16 to vector<1024x64xbf16>
      %select_n3A = arith.select %or3A_21, %convert_element_type3A_16, %broadcast_in_dim3A_22 : vector<1024x64xi1>, vector<1024x64xbf16>
      %get3A_23 = arith.constant 0 : index
      %get3A_24 = arith.constant 0 : index
      %get3A_25 = vector.load %arg7[%get3A_23, %get3A_24] : memref<1024x64xbf16, #tpu.memory_space<vmem>>, vector<1024x64xbf16>
      %dot_general3A = arith.constant dense<0.000000e+00> : vector<1024x1024xf32>
      %dot_general3A_26 = tpu.matmul %get3A_25, %select_n3A, %dot_general3A {dimension_numbers = #tpu.dot_dimension_numbers<[1], [1], [0], [0], [0, 0, 1, 0], [], []>, transpose_lhs_hint = false} : vector<1024x64xbf16>, vector<1024x64xbf16>, vector<1024x1024xf32> -> vector<1024x1024xf32>
      %get3A_27 = arith.index_cast %arg1 : i32 to index
      %get3A_28 = arith.constant 0 : index
      %get3A_29 = arith.constant 0 : index
      %get3A_30 = vector.load %arg6[%get3A_27, %get3A_28, %get3A_29] : memref<98x1x1024xf32, #tpu.memory_space<vmem>>, vector<1x1x1024xf32>
      %get3A_31 = vector.shape_cast %get3A_30 : vector<1x1x1024xf32> to vector<1x1024xf32>
      %add3A = vector.broadcast %get3A_31 : vector<1x1024xf32> to vector<1024x1024xf32>
      %add3A_32 = arith.addf %dot_general3A_26, %add3A : vector<1024x1024xf32>
      %get3A_33 = arith.constant 0 : index
      %get3A_34 = arith.constant 0 : index
      %get3A_35 = vector.load %arg10[%get3A_33, %get3A_34] : memref<1024x128xf32, #tpu.memory_space<vmem>>, vector<1024x1xf32>
      %sub3A = vector.broadcast %get3A_35 : vector<1024x1xf32> to vector<1024x1024xf32>
      %sub3A_36 = arith.subf %add3A_32, %sub3A : vector<1024x1024xf32>
      %swap3A = arith.constant 0 : index
      %swap3A_37 = arith.constant 0 : index
      %swap3A_38 = vector.load %arg5[%swap3A, %swap3A_37] : memref<1024x1024xf32, #tpu.memory_space<vmem>>, vector<1024x1024xf32>
      tpu.vector_store %arg5[%swap3A, %swap3A_37], %sub3A_36 {strides = array<i32>} : memref<1024x1024xf32, #tpu.memory_space<vmem>>, vector<1024x1024xf32>,
    } else {
    }
    return
  }
  func.func @transform_0(%arg0: i32, %arg1: i32) -> (i32, i32) {
    %c0_i32 = arith.constant 0 : i32
    %c0_i32_0 = arith.constant 0 : i32
    %c0_i32_1 = arith.constant 0 : i32
    return %c0_i32, %c0_i32_0 : i32, i32
  }
  func.func @transform_1(%arg0: i32, %arg1: i32) -> (i32, i32) {
    %c0_i32 = arith.constant 0 : i32
    %c0_i32_0 = arith.constant 0 : i32
    return %arg1, %c0_i32 : i32, i32
  }
  func.func @transform_2(%arg0: i32, %arg1: i32) -> (i32, i32) {
    %c0_i32 = arith.constant 0 : i32
    %c0_i32_0 = arith.constant 0 : i32
    %c0_i32_1 = arith.constant 0 : i32
    return %c0_i32, %c0_i32_0 : i32, i32
  }
  func.func @transform_3(%arg0: i32, %arg1: i32) -> (i32, i32) {
    %eq3A = arith.constant 0 : i32
    %eq3A_0 = arith.cmpi eq, %arg0, %eq3A : i32
    %jit3A = arith.constant 0 : i32
    %select_n3A = arith.select %eq3A_0, %jit3A, %arg1 : i32
    %c0_i32 = arith.constant 0 : i32
    %c0_i32_1 = arith.constant 0 : i32
    return %c0_i32, %select_n3A : i32, i32
  }
}

</mosaic_0001>

<sc_bundles>
// kernel: kernel.4.cloned.1.call-start
scs
__scs_entry_jumppad:
0x0: {  	(pc) =	sbr.rel $0x88, $3  }
0x1: {  	(tag) =	ssettag $0x0;
	lr =	simm.s32 $0x1  }
0x2: {  	[smem:$0x3F9D] =	sst lr;
	_ =	strace $0xD0000000  }
0x3: {  	_ = 	snop  }
0x4: {  	_ = 	snop  }
0x5: {  	_ = 	snop  }
0x6: {  	_ = 	snop  }
0x7: {  	_ = 	snop  }
__scs_overlays_trampoline_lowered:
0x8: {  	[smem:$0x3FAC] =	sst s0  }
0x9: {  	[smem:$0x3FAD] =	sst s1  }
0xa: {  	[smem:$0x3FAE] =	sst s2  }
0xb: {  	[smem:$0x3FAF] =	sst s3  }
0xc: {  	[smem:$0x3FB0] =	sst s4  }
0xd: {  	[smem:$0x3FB1] =	sst s5  }
0xe: {  	[smem:$0x3FB2] =	sst s6  }
0xf: {  	[smem:$0x3FB3] =	sst s7  }
0x10: {  	[smem:$0x3FB4] =	sst s8  }
0x11: {  	[smem:$0x3FB5] =	sst s9;
	s0 =	simm.s32 @!p0 $0x0  }
0x12: {  	s1 =	sld [smem:$0x3F9B];
	s0 =	simm.s32 @p0 $0x1  }
0x13: {  	[smem:$0x3FB6] =	sst s0;
	s0 =	simm.s32 @!p1 $0x0  }
0x14: {  	s2 =	sld [smem:$0x3F9A];
	s0 =	simm.s32 @p1 $0x1  }
0x15: {  	[smem:$0x3FB7] =	sst s0;
	s0 =	simm.s32 @!p2 $0x0  }
0x16: {  	s3 =	sld [smem:$0x3FDB];
	s0 =	simm.s32 @p2 $0x1  }
0x17: {  	s4 =	simm.s32 $0x1BF5;
	[smem:$0x3FB9] =	sst s0  }
0x18: {  	s0 =	sld [smem:$0x3F9C];
	_ =	swait.ge [sflag:s4], $0x0  }
0x19: {  	s7 =	sld [smem:$0x3F9D]  }
0x1a: {  	s8 =	sadd.s32 $0xFFFFE003, lr  }
0x1b: {  	s9 =	sadd.s32 $0xFFFFFEF7, lr;
	s5 =	simm.s32 $0xFFFFFFFF;
	p2 =	slt.u32 s8, $0xFFFFF086  }
0x1c: {  	p1 =	slt.u32 s9, $0xF7A;
	s5 =	simm.s32 @!p2 $0x0  }
0x1d: {  	s5 =	simm.s32 @p1 $0x1;
	p0 =	seq.s32 s7, s2  }
0x1e: {  	s7 =	smul.u32 @!p0 $0xF7A, s2;
	p2 =	seq.s32 @!p0 s5, $0x0  }
0x1f: {  	s9 =	smul.u32 $0xF7A, s1;
	s8 =	simm.s32 @!p0 $0x1BF5;
	p2 =	por !p2, p0  }
0x20: {  	[sflag:s8] =	ssyncset.s32 @!p0 $0xFFFFF086;
	s6 =	sadd.s32 @!p0 s3, s7;
	s7 =	simm.s32 @!p0 $0x108  }
0x21: {  	s3 =	sadd.s32 s3, s9;
	s6 =	sadd.s32 @!p0 $0x88, s6;
	s7 =	simm.s32 @p2 $0x1082  }
0x22: {  	[simem:s7], [sflag:s8] =	dma.local @!p0 [hbm:s6], $0xF7A  }
0x23: {  	s9 =	sor.u32 $0xD0000000, s2;
	s6 =	simm.s32 $0x108;
	_ =	swait.ge @!p0 [sflag:s8], $0x0  }
0x24: {  	s3 =	sadd.s32 $0x88, s3;
	s6 =	simm.s32 @!p1 $0x1082;
	[sflag:s4] =	ssyncset.s32 $0xFFFFF086  }
0x25: {  	[simem:s6], [sflag:s4] =	dma.local [hbm:s3], $0xF7A  }
0x26: {  	[smem:$0x3F9D] =	sst s1;
	(tag) =	ssettag s2;
	_ =	strace s9  }
0x27: {  	s1 =	sld [smem:$0x3FAD]  }
0x28: {  	s2 =	sld [smem:$0x3FAE]  }
0x29: {  	s4 =	sld [smem:$0x3FB0]  }
0x2a: {  	p0 =	seq.s32 s5, $0x0;
	s5 =	sld [smem:$0x3FB1]  }
0x2b: {  	s6 =	sld [smem:$0x3FB2]  }
0x2c: {  	s7 =	sld [smem:$0x3FB3]  }
0x2d: {  	s3 =	simm.s32 $0x108;
	s8 =	sld [smem:$0x3FB4]  }
0x2e: {  	s3 =	simm.s32 @!p0 $0x1082;
	s9 =	sld [smem:$0x3FB5]  }
0x2f: {  	lr =	sadd.s32 s0, s3;
	s0 =	sld [smem:$0x3FAC]  }
0x30: {  	s3 =	sld [smem:$0x3FAF]  }
0x31: {  	[smem:$0x3FB8] =	sst s10  }
0x32: {  	s10 =	sld [smem:$0x3FB6];
	_ =	sdelay $0x3  }
0x33: {  	p0 =	seq.s32 s10, $0x1;
	s10 =	sld [smem:$0x3FB8];
	_ =	sdelay $0x3  }
0x34: {  	[smem:$0x3FB8] =	sst s10  }
0x35: {  	s10 =	sld [smem:$0x3FB7];
	_ =	sdelay $0x3  }
0x36: {  	p1 =	seq.s32 s10, $0x1;
	s10 =	sld [smem:$0x3FB8];
	_ =	sdelay $0x3  }
0x37: {  	[smem:$0x3FB8] =	sst s10  }
0x38: {  	s10 =	sld [smem:$0x3FB9]  }
0x39: {  	_ = 	snop;
	(pc) =	sbr.ind lr, $3  }
0x3a: {  	_ = 	snop  }
0x3b: {  	_ = 	snop  }
0x3c: {  	p2 =	seq.s32 s10, $0x1;
	s10 =	sld [smem:$0x3FB8]  }
0x3d: {  	_ =	shalt  }
0x3e: {  	_ =	shalt  }
0x3f: {  	_ =	shalt  }
0x40: {  	_ =	shalt  }
0x41: {  	_ =	shalt  }
0x42: {  	_ =	shalt  }
0x43: {  	_ =	shalt  }
0x44: {  	_ =	shalt  }
0x45: {  	_ =	shalt  }
0x46: {  	_ =	shalt  }
0x47: {  	_ =	shalt  }
0x48: {  	_ =	shalt  }
0x49: {  	_ =	shalt  }
0x4a: {  	_ =	shalt  }
0x4b: {  	_ =	shalt  }
0x4c: {  	_ =	shalt  }
0x4d: {  	_ =	shalt  }
0x4e: {  	_ =	shalt  }
0x4f: {  	_ =	shalt  }
0x50: {  	_ =	shalt  }
0x51: {  	_ =	shalt  }
0x52: {  	_ =	shalt  }
0x53: {  	_ =	shalt  }
0x54: {  	_ =	shalt  }
0x55: {  	_ =	shalt  }
0x56: {  	_ =	shalt  }
0x57: {  	_ =	shalt  }
0x58: {  	_ =	shalt  }
0x59: {  	_ =	shalt  }
0x5a: {  	_ =	shalt  }
0x5b: {  	_ =	shalt  }
0x5c: {  	_ =	shalt  }
0x5d: {  	_ =	shalt  }
0x5e: {  	_ =	shalt  }
0x5f: {  	_ =	shalt  }
0x60: {  	_ =	shalt  }
0x61: {  	_ =	shalt  }
0x62: {  	_ =	shalt  }
0x63: {  	_ =	shalt  }
0x64: {  	_ =	shalt  }
0x65: {  	_ =	shalt  }
0x66: {  	_ =	shalt  }
0x67: {  	_ =	shalt  }
0x68: {  	_ =	shalt  }
0x69: {  	_ =	shalt  }
0x6a: {  	_ =	shalt  }
0x6b: {  	_ =	shalt  }
0x6c: {  	_ =	shalt  }
0x6d: {  	_ =	shalt  }
0x6e: {  	_ =	shalt  }
0x6f: {  	_ =	shalt  }
0x70: {  	_ =	shalt  }
0x71: {  	_ =	shalt  }
0x72: {  	_ =	shalt  }
0x73: {  	_ =	shalt  }
0x74: {  	_ =	shalt  }
0x75: {  	_ =	shalt  }
0x76: {  	_ =	shalt  }
0x77: {  	_ =	shalt  }
0x78: {  	_ =	shalt  }
0x79: {  	_ =	shalt  }
0x7a: {  	_ =	shalt  }
0x7b: {  	_ =	shalt  }
0x7c: {  	_ =	shalt  }
0x7d: {  	_ =	shalt  }
0x7e: {  	_ =	shalt  }
0x7f: {  	_ =	shalt  }
0x80: {  	_ =	shalt  }
0x81: {  	_ =	shalt  }
0x82: {  	_ =	shalt  }
0x83: {  	_ =	shalt  }
0x84: {  	_ =	shalt  }
0x85: {  	_ =	shalt  }
0x86: {  	_ =	shalt  }
0x87: {  	_ =	shalt  }
.Lfunc_end0:
.L_simem_size_0:
called_computation_lowered:
.L_overlay_start_0:
0x88: {  	s2 =	sld [smem:$0x3FD9]  }
0x89: {  	s3 =	sld [smem:$0x3FFE];
	_ =	sdelay $0x1  }
0x8a: {  	s1 =	srdreg.scid  }
0x8b: {  	s0 =	sand.u32 $0x1, s1  }
0x8c: {  	s16 =	sshll.u32 s0, $0xA;
	s2 =	sadd.s32 s3, s2  }
0x8d: {  	s2 =	sadd.s32 s2, s16  }
0x8e: {  	[smem:$0x3FC4] =	sst s2  }
0x8f: {  	_ = 	snop  }
0x90: {  	(tm) =	ssettm $0x1  }
0x91: {  	s17 =	sld [smem:$0x3FFB];
	_ =	sdelay $0x3  }
0x92: {  	_ =	strace s17  }
0x93: {  	s2 =	sld [smem:$0x3FFC];
	_ =	sdelay $0x3  }
0x94: {  	_ =	strace s2  }
0x95: {  	s2 =	sld [smem:$0x3FFD];
	_ =	sdelay $0x3  }
0x96: {  	_ =	strace s2  }
0x97: {  	_ =	strace $0x8FFFFFFF  }
0x98: {  	s18 =	sld [smem:$0x3FDB];
	_ =	sdelay $0x1  }
0x99: {  	s19 =	simm.s32 $_scs_section_size  }
0x9a: {  	s4 =	simm.s32 $_size__tile_overlayer_lowered;
	s5 =	simm.s32 $_tile_overlayer_lowered  }
0x9b: {  	s22 =	simm.s32 $0x1BFF;
	s21 =	sshll.u32 s5, $0x1;
	s2 =	sadd.s32 s19, s18  }
0x9c: {  	s6 =	simm.s32 $0x0;
	s20 =	sshll.u32 s4, $0x1;
	s4 =	sadd.s32 s21, s2  }
0x9d: {  	[timem:s6], [sflag:s22] =	dma.local [hbm:s4], s20  }
0x9e: {  	_ =	swait.ge [sflag:s22], s20  }
0x9f: {  	s3 =	ssub.s32 $0x0, s20;
	[sflag:s22] =	ssyncset.done $0x0  }
0xa0: {  	[sflag:s22] =	ssyncadd.s32 s3;
	_ =	sdelay $0x1  }
0xa1: {  	s23 =	simm.s32 $0x1B8B  }
0xa2: {  	_ =	swait.ge [sflag:s23], $0x1  }
0xa3: {  	[sflag:s23] =	ssyncset.done $0x0  }
0xa4: {  	s25 =	simm.s32 $0x1B8E;
	s24 =	sld [smem:$0x3FFE];
	[sflag:s23] =	ssyncadd.s32 $0xFFFFFFFF  }
0xa5: {  	s26 =	simm.s32 $execute0_lowered;
	[smem:$0x3FD2] =	sst s25  }
0xa6: {  	s4 =	sshll.u32 s26, $0x1;
	_ =	strace $0x80000046;
	[dreg:$0x1] =	wrdreg $0xFFFFFFFF  }
0xa7: {  	s28 =	simm.s32 $_size_execute0_lowered;
	s2 =	sadd.s32 s2, s4;
	[dreg:$0x0] =	wrdreg $0x0  }
0xa8: {  	s4 =	sshll.u32 s28, $0x1;
	[dreg:$0x2] =	wrdreg s2  }
0xa9: {  	[dreg:$0x3] =	wrdreg s4  }
0xaa: {  	[dreg:$0x4] =	wrdreg $0xC0  }
0xab: {  	_ =	task [dreg:s6], $0x5FFFF  }
0xac: {  	[dreg:$0x1] =	wrdreg $0xFFFFFFFF  }
0xad: {  	[dreg:$0x0] =	wrdreg $0x60  }
0xae: {  	[dreg:$0x2] =	wrdreg s24  }
0xaf: {  	[dreg:$0x3] =	wrdreg $0x9  }
0xb0: {  	_ =	task.clear_ibuf [dreg:s6], $0x4FFFF;
	_ =	strace $0x90000046  }
0xb1: {  	s29 =	simm.s32 $0x9;
	_ =	strace $0x80000048  }
0xb2: {  	_ =	swait.ge [sflag:s29], $0x1  }
0xb3: {  	[sflag:s29] =	ssyncadd.s32 $0xFFFFFFFF  }
0xb4: {  	_ =	strace $0x90000048  }
0xb5: {  	_ =	sfence  }
0xb6: {  	s30 =	sld [smem:$0x0];
	_ =	sdelay $0x2  }
0xb7: {  	s31 =	sshll.u32 s1, $0xD;
	s1 =	sshrl.u32 s1, $0x2  }
0xb8: {  	s3 =	sand.u32 $0x4000, s31;
	s1 =	sadd.s32 s1, s30  }
0xb9: {  	s0 =	sor.u32 s3, s0;
	s1 =	sshll.u32 s1, $0x11  }
0xba: {  	s0 =	sor.u32 s1, s0  }
0xbb: {  	s0 =	sadd.s32 $0x8F2B, s0  }
0xbc: {  	[sflag:s0] =	ssyncadd.remote.s32 $0x1  }
0xbd: {  	_ =	sfence.sel $0xFFFF  }
0xbe: {  	[dreg:$0x0] =	wrdreg $0xFFFFFFFF;
	(pc) =	sbr.abs _section_cstart, $3  }
0xbf: {  	[dreg:$0x1] =	wrdreg $0xFFFFFFFF  }
0xc0: {  	_ =	task.clear_ibuf [dreg:s6], $0x2FFFF;
	_ =	strace $0x9FFFFFFF  }
0xc1: {  	(tm) =	ssettm $0x7FFFFFFF  }
tec
execute0_lowered:
.L_overlay_start_1:
0x0: {  	(tag) =	ssettag $0x1  }
0x1: {  	s4 =	rddreg [dreg:$0x0]  }
0x2: {  	s0 =	rddreg [dreg:$0x1]  }
0x3: {  	s3 =	srdreg.scid;
	s1 =	stileid.u32;
	s2 =	simm.s32 $0x0  }
0x4: {  	s9 =	simm.s32 $0x1;
	s10 =	simm.s32 $0xA280;
	s11 =	simm.s32 $0x0  }
0x5: {  	s5 =	sand.u32 $0x1, s3;
	s30 =	sshll.u32 s1, $0x1;
	[smem:$0x7FF] =	sst s2  }
0x6: {  	s3 =	sadd.s32 $0x2C00, s4;
	s6 =	sor.u32 s5, s30;
	s5 =	ssub.s32 $0x2, s5  }
0x7: {  	s7 =	smul.u32 $0x50, s6;
	s6 =	sshll.u32 s6, $0x8;
	s31 =	sshrl.u32 s5, $0x1  }
0x8: {  	_ =	strace $0x80000047;
	s6 =	sadd.s32 s6, s4;
	s8 =	ssub.s32 s5, s31  }
0x9: {  	s7 =	sadd.s32 s7, s4;
	s5 =	sadd.s32 $0xC6200, s6;
	s6 =	smax.u32 s8, $0x1  }
0xa: {  	s8 =	simm.s32 $0x280;
	s4 =	sadd.s32 $0x2200, s7;
	s7 =	simm.s32 $0x2  }
.LBB2_1:
0xb: {  	[tilespmem:s2], [sflag:$0x2] =	stream.linear.gather [hbm4b:s4+s2], $0x280, $0x38;
	[tilespmem:$0xAA80] =	vst v63  }
0xc: {  	_ =	swait.ge [sflag:s7], $0x280  }
0xd: {  	[sflag:s7] =	ssyncset.done $0x0  }
0xe: {  	[sflag:s7] =	ssyncadd.s32 $0xFFFFFD80  }
0xf: {  	[tilespmem:s8], [sflag:$0x1] =	stream.indirect.gather [hbm4b:s3+s8], $0x40, s2, s8, $0xb8;
	[tilespmem:$0xAA80] =	vst v63  }
0x10: {  	_ =	swait.ge [sflag:s9], $0xA000  }
0x11: {  	[sflag:s9] =	ssyncset.done $0x0  }
0x12: {  	s12 =	simm.s32 $0x500;
	[sflag:s9] =	ssyncadd.s32 $0xFFFF6000  }
0x13: {  	v0 =	vld [tilespmem:s12+$0xFFFFFDC0]  }
0x14: {  	v1 =	vld [tilespmem:s12+$0xFFFFFD80];
	_ =	sdelay $0x1  }
0x15: {  	v2 =	vld [tilespmem:s12+$0xFFFFFE00];
	_ =	sdelay $0x1  }
0x16: {  	v3 =	vld [tilespmem:s12+$0xFFFFFE40]  }
0x17: {  	v0 =	vadd.f32 v0, v1  }
0x18: {  	v1 =	vld [tilespmem:s12+$0xFFFFFE80]  }
0x19: {  	v0 =	vadd.f32 v2, v0  }
0x1a: {  	v2 =	vld [tilespmem:s12+$0xFFFFFEC0]  }
0x1b: {  	v0 =	vadd.f32 v3, v0  }
0x1c: {  	v3 =	vld [tilespmem:s12+$0xFFFFFF00]  }
0x1d: {  	v0 =	vadd.f32 v1, v0  }
0x1e: {  	v1 =	vld [tilespmem:s12+$0xFFFFFF40]  }
0x1f: {  	v0 =	vadd.f32 v2, v0  }
0x20: {  	v2 =	vld [tilespmem:s12+$0xFFFFFF80]  }
0x21: {  	v0 =	vadd.f32 v3, v0  }
0x22: {  	v3 =	vld [tilespmem:s12+$0xFFFFFFC0]  }
0x23: {  	v0 =	vadd.f32 v1, v0  }
0x24: {  	v1 =	vld [tilespmem:s12+$0x0]  }
0x25: {  	v0 =	vadd.f32 v2, v0  }
0x26: {  	v2 =	vld [tilespmem:s12+$0x40]  }
0x27: {  	v0 =	vadd.f32 v3, v0  }
0x28: {  	v3 =	vld [tilespmem:s12+$0x80]  }
0x29: {  	v0 =	vadd.f32 v1, v0  }
0x2a: {  	v1 =	vld [tilespmem:s12+$0xC0]  }
0x2b: {  	v0 =	vadd.f32 v2, v0  }
0x2c: {  	v2 =	vld [tilespmem:s12+$0x100]  }
0x2d: {  	v0 =	vadd.f32 v3, v0  }
0x2e: {  	v3 =	vld [tilespmem:s12+$0x140]  }
0x2f: {  	v0 =	vadd.f32 v1, v0  }
0x30: {  	v1 =	vld [tilespmem:s12+$0x180]  }
0x31: {  	v0 =	vadd.f32 v2, v0  }
0x32: {  	v2 =	vld [tilespmem:s12+$0x1C0]  }
0x33: {  	v0 =	vadd.f32 v3, v0  }
0x34: {  	v3 =	vld [tilespmem:s12+$0x200]  }
0x35: {  	v0 =	vadd.f32 v1, v0  }
0x36: {  	v1 =	vld [tilespmem:s12+$0x240]  }
0x37: {  	v0 =	vadd.f32 v2, v0;
	_ =	sdelay $0x1  }
0x38: {  	v0 =	vadd.f32 v3, v0;
	_ =	sdelay $0x1  }
0x39: {  	v0 =	vadd.f32 v1, v0;
	_ =	sdelay $0x1  }
0x3a: {  	v0 =	vmul.f32 $5.000000070e-02, v0  }
0x3b: {  	s13 =	simm.s32 $0x0  }
0x3c: {  	[tilespmem:s13+$0xA280] =	vst v0  }
0x3d: {  	v0 =	vld [tilespmem:s12+$0xFFFFFD90]  }
0x3e: {  	v1 =	vld [tilespmem:s12+$0xFFFFFDD0];
	_ =	sdelay $0x1  }
0x3f: {  	v2 =	vld [tilespmem:s12+$0xFFFFFE10];
	_ =	sdelay $0x1  }
0x40: {  	v3 =	vld [tilespmem:s12+$0xFFFFFE50]  }
0x41: {  	v0 =	vadd.f32 v1, v0  }
0x42: {  	v1 =	vld [tilespmem:s12+$0xFFFFFE90]  }
0x43: {  	v0 =	vadd.f32 v2, v0  }
0x44: {  	v2 =	vld [tilespmem:s12+$0xFFFFFED0]  }
0x45: {  	v0 =	vadd.f32 v3, v0  }
0x46: {  	v3 =	vld [tilespmem:s12+$0xFFFFFF10]  }
0x47: {  	v0 =	vadd.f32 v1, v0  }
0x48: {  	v1 =	vld [tilespmem:s12+$0xFFFFFF50]  }
0x49: {  	v0 =	vadd.f32 v2, v0  }
0x4a: {  	v2 =	vld [tilespmem:s12+$0xFFFFFF90]  }
0x4b: {  	v0 =	vadd.f32 v3, v0  }
0x4c: {  	v3 =	vld [tilespmem:s12+$0xFFFFFFD0]  }
0x4d: {  	v0 =	vadd.f32 v1, v0  }
0x4e: {  	v1 =	vld [tilespmem:s12+$0x10]  }
0x4f: {  	v0 =	vadd.f32 v2, v0  }
0x50: {  	v2 =	vld [tilespmem:s12+$0x50]  }
0x51: {  	v0 =	vadd.f32 v3, v0  }
0x52: {  	v3 =	vld [tilespmem:s12+$0x90]  }
0x53: {  	v0 =	vadd.f32 v1, v0  }
0x54: {  	v1 =	vld [tilespmem:s12+$0xD0]  }
0x55: {  	v0 =	vadd.f32 v2, v0  }
0x56: {  	v2 =	vld [tilespmem:s12+$0x110]  }
0x57: {  	v0 =	vadd.f32 v3, v0  }
0x58: {  	v3 =	vld [tilespmem:s12+$0x150]  }
0x59: {  	v0 =	vadd.f32 v1, v0  }
0x5a: {  	v1 =	vld [tilespmem:s12+$0x190]  }
0x5b: {  	v0 =	vadd.f32 v2, v0  }
0x5c: {  	v2 =	vld [tilespmem:s12+$0x1D0]  }
0x5d: {  	v0 =	vadd.f32 v3, v0  }
0x5e: {  	v3 =	vld [tilespmem:s12+$0x210]  }
0x5f: {  	v0 =	vadd.f32 v1, v0  }
0x60: {  	v1 =	vld [tilespmem:s12+$0x250]  }
0x61: {  	v0 =	vadd.f32 v2, v0;
	_ =	sdelay $0x1  }
0x62: {  	v0 =	vadd.f32 v3, v0;
	_ =	sdelay $0x1  }
0x63: {  	v0 =	vadd.f32 v1, v0;
	_ =	sdelay $0x1  }
0x64: {  	v0 =	vmul.f32 $5.000000070e-02, v0;
	_ =	sdelay $0x1  }
0x65: {  	[tilespmem:s13+$0xA290] =	vst v0  }
0x66: {  	v0 =	vld [tilespmem:s12+$0xFFFFFDA0]  }
0x67: {  	v1 =	vld [tilespmem:s12+$0xFFFFFDE0];
	_ =	sdelay $0x1  }
0x68: {  	v2 =	vld [tilespmem:s12+$0xFFFFFE20];
	_ =	sdelay $0x1  }
0x69: {  	v3 =	vld [tilespmem:s12+$0xFFFFFE60]  }
0x6a: {  	v0 =	vadd.f32 v1, v0  }
0x6b: {  	v1 =	vld [tilespmem:s12+$0xFFFFFEA0]  }
0x6c: {  	v0 =	vadd.f32 v2, v0  }
0x6d: {  	v2 =	vld [tilespmem:s12+$0xFFFFFEE0]  }
0x6e: {  	v0 =	vadd.f32 v3, v0  }
0x6f: {  	v3 =	vld [tilespmem:s12+$0xFFFFFF20]  }
0x70: {  	v0 =	vadd.f32 v1, v0  }
0x71: {  	v1 =	vld [tilespmem:s12+$0xFFFFFF60]  }
0x72: {  	v0 =	vadd.f32 v2, v0  }
0x73: {  	v2 =	vld [tilespmem:s12+$0xFFFFFFA0]  }
0x74: {  	v0 =	vadd.f32 v3, v0  }
0x75: {  	v3 =	vld [tilespmem:s12+$0xFFFFFFE0]  }
0x76: {  	v0 =	vadd.f32 v1, v0  }
0x77: {  	v1 =	vld [tilespmem:s12+$0x20]  }
0x78: {  	v0 =	vadd.f32 v2, v0  }
0x79: {  	v2 =	vld [tilespmem:s12+$0x60]  }
0x7a: {  	v0 =	vadd.f32 v3, v0  }
0x7b: {  	v3 =	vld [tilespmem:s12+$0xA0]  }
0x7c: {  	v0 =	vadd.f32 v1, v0  }
0x7d: {  	v1 =	vld [tilespmem:s12+$0xE0]  }
0x7e: {  	v0 =	vadd.f32 v2, v0  }
0x7f: {  	v2 =	vld [tilespmem:s12+$0x120]  }
0x80: {  	v0 =	vadd.f32 v3, v0  }
0x81: {  	v3 =	vld [tilespmem:s12+$0x160]  }
0x82: {  	v0 =	vadd.f32 v1, v0  }
0x83: {  	v1 =	vld [tilespmem:s12+$0x1A0]  }
0x84: {  	v0 =	vadd.f32 v2, v0  }
0x85: {  	v2 =	vld [tilespmem:s12+$0x1E0]  }
0x86: {  	v0 =	vadd.f32 v3, v0  }
0x87: {  	v3 =	vld [tilespmem:s12+$0x220]  }
0x88: {  	v0 =	vadd.f32 v1, v0  }
0x89: {  	v1 =	vld [tilespmem:s12+$0x260]  }
0x8a: {  	v0 =	vadd.f32 v2, v0;
	_ =	sdelay $0x1  }
0x8b: {  	v0 =	vadd.f32 v3, v0;
	_ =	sdelay $0x1  }
0x8c: {  	v0 =	vadd.f32 v1, v0;
	_ =	sdelay $0x1  }
0x8d: {  	v0 =	vmul.f32 $5.000000070e-02, v0;
	_ =	sdelay $0x1  }
0x8e: {  	[tilespmem:s13+$0xA2A0] =	vst v0  }
0x8f: {  	v0 =	vld [tilespmem:s12+$0xFFFFFDB0]  }
0x90: {  	v1 =	vld [tilespmem:s12+$0xFFFFFDF0];
	_ =	sdelay $0x1  }
0x91: {  	v2 =	vld [tilespmem:s12+$0xFFFFFE30];
	_ =	sdelay $0x1  }
0x92: {  	v3 =	vld [tilespmem:s12+$0xFFFFFE70]  }
0x93: {  	v0 =	vadd.f32 v1, v0  }
0x94: {  	v1 =	vld [tilespmem:s12+$0xFFFFFEB0]  }
0x95: {  	v0 =	vadd.f32 v2, v0  }
0x96: {  	v2 =	vld [tilespmem:s12+$0xFFFFFEF0]  }
0x97: {  	v0 =	vadd.f32 v3, v0  }
0x98: {  	v3 =	vld [tilespmem:s12+$0xFFFFFF30]  }
0x99: {  	v0 =	vadd.f32 v1, v0  }
0x9a: {  	v1 =	vld [tilespmem:s12+$0xFFFFFF70]  }
0x9b: {  	v0 =	vadd.f32 v2, v0  }
0x9c: {  	v2 =	vld [tilespmem:s12+$0xFFFFFFB0]  }
0x9d: {  	v0 =	vadd.f32 v3, v0  }
0x9e: {  	v3 =	vld [tilespmem:s12+$0xFFFFFFF0]  }
0x9f: {  	v0 =	vadd.f32 v1, v0  }
0xa0: {  	v1 =	vld [tilespmem:s12+$0x30]  }
0xa1: {  	v0 =	vadd.f32 v2, v0  }
0xa2: {  	v2 =	vld [tilespmem:s12+$0x70]  }
0xa3: {  	v0 =	vadd.f32 v3, v0  }
0xa4: {  	v3 =	vld [tilespmem:s12+$0xB0]  }
0xa5: {  	v0 =	vadd.f32 v1, v0  }
0xa6: {  	v1 =	vld [tilespmem:s12+$0xF0]  }
0xa7: {  	v0 =	vadd.f32 v2, v0  }
0xa8: {  	v2 =	vld [tilespmem:s12+$0x130]  }
0xa9: {  	v0 =	vadd.f32 v3, v0  }
0xaa: {  	v3 =	vld [tilespmem:s12+$0x170]  }
0xab: {  	v0 =	vadd.f32 v1, v0  }
0xac: {  	v1 =	vld [tilespmem:s12+$0x1B0]  }
0xad: {  	v0 =	vadd.f32 v2, v0  }
0xae: {  	v2 =	vld [tilespmem:s12+$0x1F0]  }
0xaf: {  	v0 =	vadd.f32 v3, v0;
	_ =	sdelay $0x1  }
0xb0: {  	v3 =	vld [tilespmem:s12+$0x230];
	v0 =	vadd.f32 v1, v0;
	_ =	sdelay $0x1  }
0xb1: {  	v1 =	vadd.f32 v2, v0;
	v0 =	vld [tilespmem:s12+$0x270];
	_ =	sdelay $0x2  }
0xb2: {  	s14 =	simm.s32 $0x100;
	v1 =	vadd.f32 v3, v1  }
.LBB2_2:
0xb3: {  	p0 =	sne.s32 s14, $0x1F00  }
0xb4: {  	s12 =	sadd.s32 $0x500, s12;
	s15 =	smov.u32 s14;
	s14 =	sadd.s32 $0x100, s14;
	v0 =	vadd.f32 v0, v1  }
0xb5: {  	_ = 	snop  }
0xb6: {  	v0 =	vmul.f32 $5.000000070e-02, v0;
	_ =	sdelay $0x1  }
0xb7: {  	[tilespmem:s13+$0xA2B0] =	vst v0  }
0xb8: {  	v0 =	vld [tilespmem:s12+$0xFFFFFDC0]  }
0xb9: {  	v1 =	vld [tilespmem:s12+$0xFFFFFD80];
	_ =	sdelay $0x1  }
0xba: {  	v2 =	vld [tilespmem:s12+$0xFFFFFE00];
	_ =	sdelay $0x1  }
0xbb: {  	v3 =	vld [tilespmem:s12+$0xFFFFFE40]  }
0xbc: {  	v0 =	vadd.f32 v0, v1  }
0xbd: {  	v1 =	vld [tilespmem:s12+$0xFFFFFE80]  }
0xbe: {  	v0 =	vadd.f32 v2, v0  }
0xbf: {  	v2 =	vld [tilespmem:s12+$0xFFFFFEC0]  }
0xc0: {  	v0 =	vadd.f32 v3, v0  }
0xc1: {  	v3 =	vld [tilespmem:s12+$0xFFFFFF00]  }
0xc2: {  	v0 =	vadd.f32 v1, v0  }
0xc3: {  	v1 =	vld [tilespmem:s12+$0xFFFFFF40]  }
0xc4: {  	v0 =	vadd.f32 v2, v0  }
0xc5: {  	v2 =	vld [tilespmem:s12+$0xFFFFFF80]  }
0xc6: {  	v0 =	vadd.f32 v3, v0  }
0xc7: {  	v3 =	vld [tilespmem:s12+$0xFFFFFFC0]  }
0xc8: {  	v0 =	vadd.f32 v1, v0  }
0xc9: {  	v1 =	vld [tilespmem:s12+$0x0]  }
0xca: {  	v0 =	vadd.f32 v2, v0  }
0xcb: {  	v2 =	vld [tilespmem:s12+$0x40]  }
0xcc: {  	v0 =	vadd.f32 v3, v0  }
0xcd: {  	v3 =	vld [tilespmem:s12+$0x80]  }
0xce: {  	v0 =	vadd.f32 v1, v0  }
0xcf: {  	v1 =	vld [tilespmem:s12+$0xC0]  }
0xd0: {  	v0 =	vadd.f32 v2, v0  }
0xd1: {  	v2 =	vld [tilespmem:s12+$0x100]  }
0xd2: {  	v0 =	vadd.f32 v3, v0  }
0xd3: {  	v3 =	vld [tilespmem:s12+$0x140]  }
0xd4: {  	v0 =	vadd.f32 v1, v0  }
0xd5: {  	v1 =	vld [tilespmem:s12+$0x180]  }
0xd6: {  	v0 =	vadd.f32 v2, v0  }
0xd7: {  	v2 =	vld [tilespmem:s12+$0x1C0]  }
0xd8: {  	v0 =	vadd.f32 v3, v0  }
0xd9: {  	v3 =	vld [tilespmem:s12+$0x200]  }
0xda: {  	v0 =	vadd.f32 v1, v0  }
0xdb: {  	v1 =	vld [tilespmem:s12+$0x240]  }
0xdc: {  	v0 =	vadd.f32 v2, v0;
	_ =	sdelay $0x1  }
0xdd: {  	v0 =	vadd.f32 v3, v0;
	_ =	sdelay $0x1  }
0xde: {  	v0 =	vadd.f32 v1, v0;
	_ =	sdelay $0x1  }
0xdf: {  	v0 =	vmul.f32 $5.000000070e-02, v0  }
0xe0: {  	s13 =	sshra.s32 s15, $0x2  }
0xe1: {  	[tilespmem:s13+$0xA280] =	vst v0  }
0xe2: {  	v0 =	vld [tilespmem:s12+$0xFFFFFD90]  }
0xe3: {  	v1 =	vld [tilespmem:s12+$0xFFFFFDD0];
	_ =	sdelay $0x1  }
0xe4: {  	v2 =	vld [tilespmem:s12+$0xFFFFFE10];
	_ =	sdelay $0x1  }
0xe5: {  	v3 =	vld [tilespmem:s12+$0xFFFFFE50]  }
0xe6: {  	v0 =	vadd.f32 v1, v0  }
0xe7: {  	v1 =	vld [tilespmem:s12+$0xFFFFFE90]  }
0xe8: {  	v0 =	vadd.f32 v2, v0  }
0xe9: {  	v2 =	vld [tilespmem:s12+$0xFFFFFED0]  }
0xea: {  	v0 =	vadd.f32 v3, v0  }
0xeb: {  	v3 =	vld [tilespmem:s12+$0xFFFFFF10]  }
0xec: {  	v0 =	vadd.f32 v1, v0  }
0xed: {  	v1 =	vld [tilespmem:s12+$0xFFFFFF50]  }
0xee: {  	v0 =	vadd.f32 v2, v0  }
0xef: {  	v2 =	vld [tilespmem:s12+$0xFFFFFF90]  }
0xf0: {  	v0 =	vadd.f32 v3, v0  }
0xf1: {  	v3 =	vld [tilespmem:s12+$0xFFFFFFD0]  }
0xf2: {  	v0 =	vadd.f32 v1, v0  }
0xf3: {  	v1 =	vld [tilespmem:s12+$0x10]  }
0xf4: {  	v0 =	vadd.f32 v2, v0  }
0xf5: {  	v2 =	vld [tilespmem:s12+$0x50]  }
0xf6: {  	v0 =	vadd.f32 v3, v0  }
0xf7: {  	v3 =	vld [tilespmem:s12+$0x90]  }
0xf8: {  	v0 =	vadd.f32 v1, v0  }
0xf9: {  	v1 =	vld [tilespmem:s12+$0xD0]  }
0xfa: {  	v0 =	vadd.f32 v2, v0  }
0xfb: {  	v2 =	vld [tilespmem:s12+$0x110]  }
0xfc: {  	v0 =	vadd.f32 v3, v0  }
0xfd: {  	v3 =	vld [tilespmem:s12+$0x150]  }
0xfe: {  	v0 =	vadd.f32 v1, v0  }
0xff: {  	v1 =	vld [tilespmem:s12+$0x190]  }
0x100: {  	v0 =	vadd.f32 v2, v0  }
0x101: {  	v2 =	vld [tilespmem:s12+$0x1D0]  }
0x102: {  	v0 =	vadd.f32 v3, v0  }
0x103: {  	v3 =	vld [tilespmem:s12+$0x210]  }
0x104: {  	v0 =	vadd.f32 v1, v0  }
0x105: {  	v1 =	vld [tilespmem:s12+$0x250]  }
0x106: {  	v0 =	vadd.f32 v2, v0;
	_ =	sdelay $0x1  }
0x107: {  	v0 =	vadd.f32 v3, v0;
	_ =	sdelay $0x1  }
0x108: {  	v0 =	vadd.f32 v1, v0;
	_ =	sdelay $0x1  }
0x109: {  	v0 =	vmul.f32 $5.000000070e-02, v0;
	_ =	sdelay $0x1  }
0x10a: {  	[tilespmem:s13+$0xA290] =	vst v0  }
0x10b: {  	v0 =	vld [tilespmem:s12+$0xFFFFFDA0]  }
0x10c: {  	v1 =	vld [tilespmem:s12+$0xFFFFFDE0];
	_ =	sdelay $0x1  }
0x10d: {  	v2 =	vld [tilespmem:s12+$0xFFFFFE20];
	_ =	sdelay $0x1  }
0x10e: {  	v3 =	vld [tilespmem:s12+$0xFFFFFE60]  }
0x10f: {  	v0 =	vadd.f32 v1, v0  }
0x110: {  	v1 =	vld [tilespmem:s12+$0xFFFFFEA0]  }
0x111: {  	v0 =	vadd.f32 v2, v0  }
0x112: {  	v2 =	vld [tilespmem:s12+$0xFFFFFEE0]  }
0x113: {  	v0 =	vadd.f32 v3, v0  }
0x114: {  	v3 =	vld [tilespmem:s12+$0xFFFFFF20]  }
0x115: {  	v0 =	vadd.f32 v1, v0  }
0x116: {  	v1 =	vld [tilespmem:s12+$0xFFFFFF60]  }
0x117: {  	v0 =	vadd.f32 v2, v0  }
0x118: {  	v2 =	vld [tilespmem:s12+$0xFFFFFFA0]  }
0x119: {  	v0 =	vadd.f32 v3, v0  }
0x11a: {  	v3 =	vld [tilespmem:s12+$0xFFFFFFE0]  }
0x11b: {  	v0 =	vadd.f32 v1, v0  }
0x11c: {  	v1 =	vld [tilespmem:s12+$0x20]  }
0x11d: {  	v0 =	vadd.f32 v2, v0  }
0x11e: {  	v2 =	vld [tilespmem:s12+$0x60]  }
0x11f: {  	v0 =	vadd.f32 v3, v0  }
0x120: {  	v3 =	vld [tilespmem:s12+$0xA0]  }
0x121: {  	v0 =	vadd.f32 v1, v0  }
0x122: {  	v1 =	vld [tilespmem:s12+$0xE0]  }
0x123: {  	v0 =	vadd.f32 v2, v0  }
0x124: {  	v2 =	vld [tilespmem:s12+$0x120]  }
0x125: {  	v0 =	vadd.f32 v3, v0  }
0x126: {  	v3 =	vld [tilespmem:s12+$0x160]  }
0x127: {  	v0 =	vadd.f32 v1, v0  }
0x128: {  	v1 =	vld [tilespmem:s12+$0x1A0]  }
0x129: {  	v0 =	vadd.f32 v2, v0  }
0x12a: {  	v2 =	vld [tilespmem:s12+$0x1E0]  }
0x12b: {  	v0 =	vadd.f32 v3, v0  }
0x12c: {  	v3 =	vld [tilespmem:s12+$0x220]  }
0x12d: {  	v0 =	vadd.f32 v1, v0  }
0x12e: {  	v1 =	vld [tilespmem:s12+$0x260]  }
0x12f: {  	v0 =	vadd.f32 v2, v0;
	_ =	sdelay $0x1  }
0x130: {  	v0 =	vadd.f32 v3, v0;
	_ =	sdelay $0x1  }
0x131: {  	v0 =	vadd.f32 v1, v0;
	_ =	sdelay $0x1  }
0x132: {  	v0 =	vmul.f32 $5.000000070e-02, v0;
	_ =	sdelay $0x1  }
0x133: {  	[tilespmem:s13+$0xA2A0] =	vst v0  }
0x134: {  	v0 =	vld [tilespmem:s12+$0xFFFFFDB0]  }
0x135: {  	v1 =	vld [tilespmem:s12+$0xFFFFFDF0]  }
0x136: {  	v2 =	vld [tilespmem:s12+$0xFFFFFE30]  }
0x137: {  	v3 =	vld [tilespmem:s12+$0xFFFFFE70]  }
0x138: {  	v4 =	vld [tilespmem:s12+$0xFFFFFEB0]  }
0x139: {  	v5 =	vld [tilespmem:s12+$0xFFFFFEF0]  }
0x13a: {  	v0 =	vadd.f32 v1, v0;
	v1 =	vld [tilespmem:s12+$0xFFFFFF30]  }
0x13b: {  	v6 =	vld [tilespmem:s12+$0xFFFFFF70]  }
0x13c: {  	v0 =	vadd.f32 v2, v0;
	v2 =	vld [tilespmem:s12+$0xFFFFFFB0]  }
0x13d: {  	v7 =	vld [tilespmem:s12+$0xFFFFFFF0]  }
0x13e: {  	v0 =	vadd.f32 v3, v0;
	v3 =	vld [tilespmem:s12+$0x30]  }
0x13f: {  	v8 =	vld [tilespmem:s12+$0x70]  }
0x140: {  	v0 =	vadd.f32 v4, v0;
	v4 =	vld [tilespmem:s12+$0xB0]  }
0x141: {  	v9 =	vld [tilespmem:s12+$0xF0]  }
0x142: {  	v0 =	vadd.f32 v5, v0;
	v5 =	vld [tilespmem:s12+$0x130]  }
0x143: {  	v10 =	vld [tilespmem:s12+$0x170]  }
0x144: {  	v0 =	vadd.f32 v1, v0;
	v1 =	vld [tilespmem:s12+$0x1B0]  }
0x145: {  	v11 =	vld [tilespmem:s12+$0x1F0]  }
0x146: {  	v6 =	vadd.f32 v6, v0;
	v12 =	vld [tilespmem:s12+$0x230]  }
0x147: {  	v0 =	vld [tilespmem:s12+$0x270]  }
0x148: {  	v2 =	vadd.f32 v2, v6;
	_ =	sdelay $0x1  }
0x149: {  	v2 =	vadd.f32 v7, v2;
	_ =	sdelay $0x1  }
0x14a: {  	v2 =	vadd.f32 v3, v2;
	_ =	sdelay $0x1  }
0x14b: {  	v2 =	vadd.f32 v8, v2;
	_ =	sdelay $0x1  }
0x14c: {  	v2 =	vadd.f32 v4, v2;
	_ =	sdelay $0x1  }
0x14d: {  	v2 =	vadd.f32 v9, v2;
	_ =	sdelay $0x1  }
0x14e: {  	v2 =	vadd.f32 v5, v2;
	_ =	sdelay $0x1  }
0x14f: {  	v2 =	vadd.f32 v10, v2;
	_ =	sdelay $0x1  }
.Ltmp0:
0x150: {  	v1 =	vadd.f32 v1, v2;
	(pc) =	sbr.rel @p0 .LBB2_2-.Ltmp0, $3  }
0x151: {  	_ = 	snop  }
0x152: {  	v1 =	vadd.f32 v11, v1;
	_ =	sdelay $0x1  }
0x153: {  	v1 =	vadd.f32 v12, v1  }
0x154: {  	_ = 	snop  }
0x155: {  	v0 =	vadd.f32 v0, v1;
	_ =	sdelay $0x1  }
0x156: {  	s11 =	sadd.s32 $0x1, s11;
	v0 =	vmul.f32 $5.000000070e-02, v0  }
0x157: {  	p0 =	sne.s32 s11, s6  }
.Ltmp1:
0x158: {  	[tilespmem:s13+$0xA2B0] =	vst v0;
	(pc) =	sbr.rel @p0 .LBB2_1-.Ltmp1, $4  }
0x159: {  	[hbm4b:s5+s2] =	stream.linear.scatter [tilespmem:s10], [sflag:$0x2], $0x800, $0x38;
	[tilespmem:$0xAA80] =	vst v63  }
0x15a: {  	_ =	swait.ge [sflag:s7], $0x800  }
0x15b: {  	[sflag:s7] =	ssyncset.done $0x0  }
0x15c: {  	[sflag:s7] =	ssyncadd.s32 $0xFFFFF800  }
0x15d: {  	_ =	sfence.sel $0x180000  }
0x15e: {  	[bflag:$0x0] =	sbarrier.arrive $0xFFFF  }
0x15f: {  	p0 =	sne.s32 s1, $0x0;
	_ =	strace $0x90000047  }
0x160: {  	s0 =	sadd.s32 @!p0 $0x100000, s0;
	[bflag:$0x2] =	sbarrier.arrive $0xFFFF  }
0x161: {  	[sflag:s0] =	ssyncadd.tile.s32 @!p0 $0x1;
	_ =	shalt  }
.Lfunc_end2:
_tile_overlayer_lowered:
.L_overlay_start_2:
0x162: {  	(tag) =	ssettag $0x2  }
0x163: {  	s0 =	rddreg [dreg:$0x0];
	s2 =	stileid.u32  }
0x164: {  	s1 =	rddreg [dreg:$0x1];
	p0 =	sne.s32 s2, $0x0  }
0x165: {  	s3 =	rddreg [dreg:$0x2];
	[bflag:$0x3] =	sbarrier.arrive $0xFFFF;
	s2 =	simm.s32 @!p0 $0x1C02  }
0x166: {  	[timem:s3], [sflag:s2] =	dma.local @!p0 [hbm:s0], s1  }
0x167: {  	s0 =	simm.s32 @!p0 $0x2  }
0x168: {  	_ =	swait.ge @!p0 [sflag:s0], s1  }
0x169: {  	s1 =	ssub.s32 @!p0 $0x0, s1;
	[sflag:s0] =	ssyncset.done @!p0 $0x0  }
0x16a: {  	[sflag:s0] =	ssyncadd.s32 @!p0 s1  }
0x16b: {  	[bflag:$0x3] =	sbarrier.arrive $0xFFFF  }
0x16c: {  	_ =	shalt  }

</sc_bundles>
